<compile_context>
chip_gen: v7x
topology: tpu7x:2x2x1
jax: 0.10.2.dev20260603
libtpu: 0.0.44.dev20260713+nightly
codegen_flags: <defaults>
</compile_context>

<pallas_src>
import functools

import jax
import jax.numpy as jnp
from jax import lax
from jax.experimental import pallas as pl
from jax.experimental.pallas import tpu as pltpu
from jax.experimental.pallas import tpu_sc as plsc

B, K, N = 8, 20000, 100
KP = 20480
R = KP // 128
RC = 32
EPS = 1e-14
XT = 16.0
YT = 16.0
AT = 15.0
WA = 54.0
INV_STD = (10.0, 10.0, 5.0, 5.0, 10.0)


def _match_body(c0_ref, c1_ref, px_ref, py_ref, gtb_ref,
                loct_ref, bits_ref):
    ch = pl.program_id(1)
    kidx = ((ch * RC) * 128
            + lax.broadcasted_iota(jnp.int32, (RC, 128), 0) * 128
            + lax.broadcasted_iota(jnp.int32, (RC, 128), 1))
    A = -75.0 + 30.0 * (kidx % 6).astype(jnp.float32)
    X = px_ref[0]
    Y = py_ref[0]

    zero = jnp.zeros((RC, 128), jnp.float32)

    def step(n, carry):
        cnt, s0, s1, s2, s3, s4 = carry
        gx = gtb_ref[0, n, 0]
        gy = gtb_ref[0, n, 1]
        ga = gtb_ref[0, n, 2]
        m = ((jnp.abs(X - gx) <= XT) & (jnp.abs(Y - gy) <= YT)
             & (jnp.abs(A - ga) <= AT))
        mf = m.astype(jnp.float32)
        g0 = gtb_ref[0, n, 3]
        g1 = gtb_ref[0, n, 4]
        g2 = gtb_ref[0, n, 5]
        g3 = gtb_ref[0, n, 6]
        g4 = gtb_ref[0, n, 7]
        return (cnt + mf, s0 + mf * g0, s1 + mf * g1, s2 + mf * g2,
                s3 + mf * g3, s4 + mf * g4)

    cnt, s0, s1, s2, s3, s4 = lax.fori_loop(
        0, N, step, (zero, zero, zero, zero, zero, zero), unroll=4)

    pos = cnt > 0.0

    c0 = c0_ref[0]
    c1 = c1_ref[0]
    mx = jnp.maximum(c0, c1)
    lse = jnp.log(jnp.exp(c0 - mx) + jnp.exp(c1 - mx)) + mx
    lossf = lse - c0
    real = kidx < K
    bits_ref[0] = jnp.where(jnp.logical_not(real), -1,
                            jnp.where(pos, -2,
                                      lax.bitcast_convert_type(lossf,
                                                               jnp.int32)))

    cdiv = jnp.maximum(cnt, 1.0)
    t0 = s0 + EPS
    t1 = s1 + EPS
    t2 = s2 + EPS
    t3 = s3 + EPS
    t4 = s4 + EPS
    l0 = jnp.where(pos, t0 / cdiv, t0)
    l1 = jnp.where(pos, t1 / cdiv, t1)
    l2 = jnp.where(pos, t2 / cdiv, t2)
    l3 = jnp.where(pos, t3 / cdiv, t3)
    l4 = jnp.where(pos, t4 / cdiv, t4)
    loct_ref[0, 0] = ((l0 - X) / WA) * INV_STD[0]
    loct_ref[0, 1] = ((l1 - Y) / WA) * INV_STD[1]
    loct_ref[0, 2] = jnp.log(jnp.maximum(l2, EPS) / WA) * INV_STD[2]
    loct_ref[0, 3] = jnp.log(jnp.maximum(l3, EPS) / WA) * INV_STD[3]
    loct_ref[0, 4] = ((l4 - A) / 30.0) * INV_STD[4]


NV = KP // 16


UNR = 8


def _sc_mine_one(bits_hbm, conft_hbm, iws_hbm, ows_hbm,
                 data_v, hist_v, cbuf, ibuf, obuf, b):
    pltpu.sync_copy(bits_hbm.at[b], data_v)
    lane = lax.iota(jnp.int32, 16)
    ones = jnp.ones((16,), jnp.int32)

    def zero_hist():
        @plsc.parallel_loop(0, 256, unroll=UNR)
        def _z(i):
            hist_v[pl.ds(i * 16, 16)] = jnp.zeros((16,), jnp.int32)

    zero_hist()

    @plsc.parallel_loop(0, NV, unroll=UNR,
                        carry=jnp.zeros((16,), jnp.int32))
    def posacc(i, acc):
        v = data_v[pl.ds(i * 16, 16)]
        d = lax.shift_right_logical(v, 24)
        plsc.addupdate_scatter(hist_v, [d * 16 + lane], ones,
                               mask=v >= 0)
        return acc + (v == -2).astype(jnp.int32)

    num_pos = jnp.sum(posacc)
    n_take = jnp.minimum(3 * num_pos, K - num_pos)

    def scan_level(need):
        def cond(st):
            _, acc, _ = st
            return acc < need

        def body(st):
            bin_, acc, _ = st
            nb = bin_ - 1
            cnt = jnp.sum(hist_v[pl.ds(nb * 16, 16)])
            return (nb, acc + cnt, cnt)

        bin_, acc, last = lax.while_loop(
            cond, body, (jnp.int32(256), jnp.int32(0), jnp.int32(0)))
        return bin_, acc - last

    b1, above1 = scan_level(n_take)
    need2 = n_take - above1

    zero_hist()

    @plsc.parallel_loop(0, NV, unroll=UNR)
    def _sw2(i):
        v = data_v[pl.ds(i * 16, 16)]
        m = lax.shift_right_logical(v, 24) == b1
        d = jnp.bitwise_and(lax.shift_right_logical(v, 16), 0xFF)
        plsc.addupdate_scatter(hist_v, [d * 16 + lane], ones, mask=m)
    b2, above2 = scan_level(need2)
    need3 = need2 - above2
    p2 = (b1 << 8) | b2

    zero_hist()

    @plsc.parallel_loop(0, NV, unroll=UNR)
    def _sw3(i):
        v = data_v[pl.ds(i * 16, 16)]
        m = lax.shift_right_logical(v, 16) == p2
        d = jnp.bitwise_and(lax.shift_right_logical(v, 8), 0xFF)
        plsc.addupdate_scatter(hist_v, [d * 16 + lane], ones, mask=m)
    b3, above3 = scan_level(need3)
    need4 = need3 - above3
    p3 = (p2 << 8) | b3

    zero_hist()

    @plsc.parallel_loop(0, NV, unroll=UNR)
    def _sw4(i):
        v = data_v[pl.ds(i * 16, 16)]
        m = lax.shift_right_logical(v, 8) == p3
        d = jnp.bitwise_and(v, 0xFF)
        plsc.addupdate_scatter(hist_v, [d * 16 + lane], ones, mask=m)
    b4, above4 = scan_level(need4)
    r = need4 - above4
    tval = (p3 << 8) | b4
    has = n_take > 0
    tval = jnp.where(has, tval, jnp.int32(0x7FFFFFFF))
    r = jnp.where(has, r, jnp.int32(0))

    den = jnp.full((16,), jnp.bitwise_or(4 * num_pos, 1),
                   jnp.int32).astype(jnp.float32)
    x0 = lax.bitcast_convert_type(
        jnp.int32(0x7EF127EA) - lax.bitcast_convert_type(den, jnp.int32),
        jnp.float32)
    for _ in range(4):
        x0 = x0 * (2.0 - den * x0)
    invd = x0

    def tcond(st):
        j, acc = st
        return (acc < r) & (j < NV)

    def tbody(st):
        j, acc = st
        v = data_v[pl.ds(j * 16, 16)]
        return (j + 1, acc + jnp.sum((v == tval).astype(jnp.int32)))

    j_end, acc_end = lax.while_loop(tcond, tbody,
                                    (jnp.int32(0), jnp.int32(0)))
    jm = jnp.maximum(j_end - 1, 0)
    vlast = data_v[pl.ds(jm * 16, 16)]
    tl = (vlast == tval).astype(jnp.int32)
    csum = plsc.cumsum(tl)
    rloc = r - (acc_end - jnp.sum(tl))
    is_rth = (tl > 0) & (csum == rloc)
    lpos = jnp.sum(jnp.where(is_rth, lane, jnp.zeros((16,), jnp.int32)))
    cut = jm * 16 + lpos + 1
    cut = jnp.where(r > 0, cut, jnp.int32(0))

    @plsc.parallel_loop(0, NV, unroll=UNR)
    def _ap(j):
        v = data_v[pl.ds(j * 16, 16)]
        pos = v == -2
        kvec = j * 16 + lane
        neg = (v > tval) | ((v == tval) & (kvec < cut))
        cbuf[pl.ds(j * 16, 16)] = jnp.where(
            pos, jnp.int32(1),
            jnp.where(neg, jnp.int32(0), jnp.int32(-1)))
        ibuf[pl.ds(j * 16, 16)] = jnp.where(pos, 1.0, 0.0)
        obuf[pl.ds(j * 16, 16)] = jnp.where(pos | neg, invd, 0.0)
    pltpu.sync_copy(cbuf, conft_hbm.at[b])
    pltpu.sync_copy(ibuf, iws_hbm.at[b])
    pltpu.sync_copy(obuf, ows_hbm.at[b])


def _sc_mine(bits):
    mesh = plsc.VectorSubcoreMesh(core_axis_name="c", subcore_axis_name="s")

    @functools.partial(
        pl.kernel,
        out_type=[
            jax.ShapeDtypeStruct((B, KP), jnp.int32),
            jax.ShapeDtypeStruct((B, KP), jnp.float32),
            jax.ShapeDtypeStruct((B, KP), jnp.float32),
        ],
        mesh=mesh,
        scratch_types=[
            pltpu.VMEM((KP,), jnp.int32),
            pltpu.VMEM((4096,), jnp.int32),
            pltpu.VMEM((KP,), jnp.int32),
            pltpu.VMEM((KP,), jnp.float32),
            pltpu.VMEM((KP,), jnp.float32),
        ],
        compiler_params=pltpu.CompilerParams(needs_layout_passes=False),
    )
    def k(bits_hbm, conft_hbm, iws_hbm, ows_hbm,
          data_v, hist_v, cbuf, ibuf, obuf):
        c = lax.axis_index("c")
        s = lax.axis_index("s")
        b = c * 4 + s // 4

        @pl.when(s % 4 == 0)
        def _():
            _sc_mine_one(bits_hbm, conft_hbm, iws_hbm, ows_hbm,
                         data_v, hist_v, cbuf, ibuf, obuf, b)

    return k(bits)


def _impl(conf, gt, priors):
    pad = KP - K
    confp = jnp.pad(conf, ((0, 0), (0, pad), (0, 0)))
    pxyp = jnp.pad(priors[..., :2], ((0, 0), (0, pad), (0, 0)),
                   constant_values=1e9)
    c0 = confp[..., 0].reshape(B, R, 128)
    c1 = confp[..., 1].reshape(B, R, 128)
    px = pxyp[..., 0].reshape(B, R, 128)
    py = pxyp[..., 1].reshape(B, R, 128)

    valid = jnp.logical_not(jnp.all(gt == 0.0, axis=2, keepdims=True))
    big = jnp.float32(1e18)
    xyav = jnp.where(valid, gt[..., jnp.array([0, 1, 4])], big)
    gtb = jnp.concatenate([
        xyav,
        gt,
    ], axis=2)

    chunk = pl.BlockSpec((1, RC, 128), lambda b, c: (b, c, 0))
    loct, bits = pl.pallas_call(
        _match_body,
        grid=(B, R // RC),
        in_specs=[chunk] * 4 + [
            pl.BlockSpec((1, N, 8), lambda b, c: (b, 0, 0),
                         memory_space=pltpu.SMEM)],
        out_specs=[pl.BlockSpec((1, 5, RC, 128), lambda b, c: (b, 0, c, 0)),
                   chunk],
        out_shape=[
            jax.ShapeDtypeStruct((B, 5, R, 128), jnp.float32),
            jax.ShapeDtypeStruct((B, R, 128), jnp.int32),
        ],
    )(c0, c1, px, py, gtb)

    conft, iws, ows = _sc_mine(bits.reshape(B, KP))

    loc_t = loct.transpose(0, 2, 3, 1).reshape(B, KP, 5)[:, :K]
    conf_t = conft[:, :K]
    iw = jnp.broadcast_to(iws[:, :K, None], (B, K, 5))
    ow = jnp.broadcast_to(ows[:, :K, None], (B, K, 5))
    return (loc_t, conf_t, iw, ow)


def kernel(conf, gt, priors):
    return _impl(conf, gt, priors)

# --- scband reference (transcript-rebuilt; emitter-appended) ---
"""Pipeline reference for scband-grasp-target-layer-54116587930265 (READ-ONLY COPY).

The authoritative reference and input builder live on the scoring server;
editing this copy changes nothing except your own understanding.
"""

import jax, jax.numpy as jnp
import numpy as np

FEAT_STRIDE = 32.0
ANGLE_THRESH = 15.0
NEGPOS_RATIO = 3
EPS = 1e-14
BBOX_INSIDE_WEIGHT = 1.0
MEANS = jnp.array([0.0, 0.0, 0.0, 0.0, 0.0], dtype=jnp.float32)
STDS = jnp.array([0.1, 0.1, 0.2, 0.2, 0.1], dtype=jnp.float32)


def grasp_encode(loc, priors):
    wa = priors[..., 2]
    ha = priors[..., 3]
    dx = (loc[..., 0] - priors[..., 0]) / wa
    dy = (loc[..., 1] - priors[..., 1]) / ha
    dw = jnp.log(jnp.maximum(loc[..., 2], EPS) / wa)
    dh = jnp.log(jnp.maximum(loc[..., 3], EPS) / ha)
    da = (loc[..., 4] - priors[..., 4]) / (180.0 / 6.0)
    return jnp.stack([dx, dy, dw, dh, da], axis=-1)


def _match_gt_prior(priors, gt, xthresh, ythresh, angle_thresh):
    x_gt = jnp.transpose(gt[:, :, 0:1], (0, 2, 1))
    y_gt = jnp.transpose(gt[:, :, 1:2], (0, 2, 1))
    a_gt = jnp.transpose(gt[:, :, 4:5], (0, 2, 1))
    mask_gt = jnp.sum((gt == 0).astype(jnp.int32), axis=2, keepdims=True) != gt.shape[2]
    mask_gt = jnp.transpose(mask_gt, (0, 2, 1))
    xdiff = jnp.abs(priors[:, :, 0:1] - x_gt)
    ydiff = jnp.abs(priors[:, :, 1:2] - y_gt)
    adiff = jnp.abs(priors[:, :, 4:5] - a_gt)
    match = (xdiff <= xthresh) & (ydiff <= ythresh) & (adiff <= angle_thresh) & mask_gt
    match_num = jnp.sum(match.astype(jnp.float32), axis=2, keepdims=True)
    label = (jnp.sum(match, axis=2) > 0).astype(jnp.int32)
    loc = jnp.einsum('bkn,bnd->bkd', match.astype(gt.dtype), gt) + EPS
    loc = jnp.where(match_num > 0, loc / jnp.maximum(match_num, 1.0), loc)
    return grasp_encode(loc, priors), label


def _log_sum_exp(x):
    x_max = jnp.max(x, axis=1, keepdims=True)
    return jnp.log(jnp.sum(jnp.exp(x - x_max), axis=1, keepdims=True)) + x_max


def _mine_hard_samples(conf_t, conf):
    B, K, _ = conf.shape
    pos = conf_t > 0
    batch_conf = jax.lax.stop_gradient(conf).reshape(-1, 2)
    loss_c = _log_sum_exp(batch_conf) - jnp.take_along_axis(batch_conf, conf_t.reshape(-1, 1), axis=1)
    loss_c = loss_c.reshape(B, K)
    loss_c = jnp.where(pos, -1.0, loss_c)
    loss_idx = jnp.argsort(-loss_c, axis=1)
    idx_rank = jnp.argsort(loss_idx, axis=1)
    num_pos = jnp.sum(pos.astype(jnp.int32), axis=1, keepdims=True)
    num_neg = NEGPOS_RATIO * num_pos
    neg = (idx_rank < num_neg) & (~pos)
    conf_t_out = jnp.where((~neg) & (~pos), -1, conf_t)
    iw = pos.astype(jnp.float32) * BBOX_INSIDE_WEIGHT
    iw = jnp.broadcast_to(iw[:, :, None], (B, K, 5))
    denom = jnp.bitwise_or(num_pos + num_neg, 1).astype(jnp.float32)
    ow = (pos | neg).astype(jnp.float32) / denom
    ow = jnp.broadcast_to(ow[:, :, None], (B, K, 5))
    return iw, ow, conf_t_out


def setup_inputs(seed: int = 0):
    key = jax.random.key(seed)
    k1, k2, k3, k4, k5 = jax.random.split(key, 5)
    B, K, N = 8, 20000, 100
    conf = jax.random.normal(k1, (B, K, 2), dtype=jnp.float32)
    gxy = jax.random.uniform(k2, (B, N, 2), minval=0.0, maxval=1024.0)
    gwh = jax.random.uniform(k3, (B, N, 2), minval=20.0, maxval=80.0)
    gang = jax.random.uniform(k4, (B, N, 1), minval=-90.0, maxval=90.0)
    gt = jnp.concatenate([gxy, gwh, gang], axis=2).astype(jnp.float32)
    pxy = jax.random.uniform(k5, (B, K, 2), minval=0.0, maxval=1024.0)
    pwh = jnp.full((B, K, 2), 54.0, dtype=jnp.float32)
    pang = jnp.tile(jnp.linspace(-75.0, 75.0, 6, dtype=jnp.float32).reshape(1, 6, 1), (B, K // 6 + 1, 1))[:, :K, :]
    priors = jnp.concatenate([pxy, pwh, pang], axis=2).astype(jnp.float32)
    return {'conf': conf, 'gt': gt, 'priors': priors}


def reference(conf, gt, priors):
    loc_t, conf_t = _match_gt_prior(priors, gt, FEAT_STRIDE / 2, FEAT_STRIDE / 2, ANGLE_THRESH)
    iw, ow, conf_t = _mine_hard_samples(conf_t, conf)
    loc_t = (loc_t - MEANS) / STDS
    return (loc_t, conf_t, iw, ow)

if __name__ == "__main__":
    import jax
    _d = setup_inputs()
    print(jax.jit(kernel)(*tuple(_d.values())))

</pallas_src>

<mosaic_0001>
#map = affine_map<(d0, d1) -> (0, 0)>
module attributes {stable_mosaic.version = 14 : i64} {
  func.func @k(%arg0: i32, %arg1: i32, %arg2: memref<8x20480xi32, #tpu.memory_space<hbm>>, %arg3: memref<8x20480xi32, #tpu.memory_space<hbm>>, %arg4: memref<8x20480xf32, #tpu.memory_space<hbm>>, %arg5: memref<8x20480xf32, #tpu.memory_space<hbm>>, %arg6: memref<20480xi32, #tpu.memory_space<vmem>>, %arg7: memref<4096xi32, #tpu.memory_space<vmem>>, %arg8: memref<20480xi32, #tpu.memory_space<vmem>>, %arg9: memref<20480xf32, #tpu.memory_space<vmem>>, %arg10: memref<20480xf32, #tpu.memory_space<vmem>>) attributes {dimension_semantics = [#tpu.dimension_semantics<core_parallel>, #tpu.dimension_semantics<subcore_parallel>], iteration_bounds = array<i64: 2, 16>, scalar_prefetch = 0 : i64, scratch_operands = 5 : i64, tpu.core_type = #tpu.core_type<sc_vector_subcore>, window_params = [{transform_indices = #map}, {transform_indices = #map}, {transform_indices = #map}, {transform_indices = #map}]} {
    %mul3A = arith.constant 4 : i32
    %mul3A_0 = arith.muli %arg0, %mul3A : i32
    %jit3A = arith.constant 4 : i32
    %div3A = arith.divsi %arg1, %jit3A : i32
    %sign3A = arith.constant 0 : i32
    %sign3A_1 = arith.cmpi sgt, %arg1, %sign3A : i32
    %sign3A_2 = arith.extui %sign3A_1 : i1 to i32
    %sign3A_3 = arith.constant 0 : i32
    %sign3A_4 = arith.cmpi slt, %arg1, %sign3A_3 : i32
    %sign3A_5 = arith.extui %sign3A_4 : i1 to i32
    %sign3A_6 = arith.subi %sign3A_2, %sign3A_5 : i32
    %sign3A_7 = arith.constant 0 : i32
    %sign3A_8 = arith.cmpi sgt, %jit3A, %sign3A_7 : i32
    %sign3A_9 = arith.extui %sign3A_8 : i1 to i32
    %sign3A_10 = arith.constant 0 : i32
    %sign3A_11 = arith.cmpi slt, %jit3A, %sign3A_10 : i32
    %sign3A_12 = arith.extui %sign3A_11 : i1 to i32
    %sign3A_13 = arith.subi %sign3A_9, %sign3A_12 : i32
    %ne3A = arith.cmpi ne, %sign3A_6, %sign3A_13 : i32
    %rem3A = arith.remsi %arg1, %jit3A : i32
    %ne3A_14 = arith.constant 0 : i32
    %ne3A_15 = arith.cmpi ne, %rem3A, %ne3A_14 : i32
    %and3A = arith.andi %ne3A, %ne3A_15 : i1
    %sub3A = arith.constant 1 : i32
    %sub3A_16 = arith.subi %div3A, %sub3A : i32
    %select_n3A = arith.select %and3A, %sub3A_16, %div3A : i32
    %add3A = arith.addi %mul3A_0, %select_n3A : i32
    %jit3A_17 = arith.constant 4 : i32
    %eq3A = arith.constant 0 : i32
    %eq3A_18 = arith.cmpi eq, %jit3A_17, %eq3A : i32
    %jit3A_19 = arith.constant 1 : i32
    %select_n3A_20 = arith.select %eq3A_18, %jit3A_19, %jit3A_17 : i32
    %rem3A_21 = arith.remsi %arg1, %select_n3A_20 : i32
    %ne3A_22 = arith.constant 0 : i32
    %ne3A_23 = arith.cmpi ne, %rem3A_21, %ne3A_22 : i32
    %lt3A = arith.constant 0 : i32
    %lt3A_24 = arith.cmpi slt, %rem3A_21, %lt3A : i32
    %lt3A_25 = arith.constant 0 : i32
    %lt3A_26 = arith.cmpi slt, %select_n3A_20, %lt3A_25 : i32
    %ne3A_27 = arith.xori %lt3A_24, %lt3A_26 : i1
    %and3A_28 = arith.andi %ne3A_27, %ne3A_23 : i1
    %add3A_29 = arith.addi %rem3A_21, %select_n3A_20 : i32
    %select_n3A_30 = arith.select %and3A_28, %add3A_29, %rem3A_21 : i32
    %eq3A_31 = arith.constant 0 : i32
    %eq3A_32 = arith.cmpi eq, %select_n3A_30, %eq3A_31 : i32
    %convert_element_type3A = arith.extui %eq3A_32 : i1 to i32
    %cond3A = arith.constant 0 : i32
    %cond3A_33 = arith.cmpi ne, %convert_element_type3A, %cond3A : i32
    scf.if %cond3A_33 {
      "tpu.region"() ({
        %run_scoped3A = tpu.sem_alloc : memref<!tpu.dma_semaphore, #tpu.memory_space<semaphore_mem>>
        %dma_start3A = arith.constant 0 : i32
        %dma_start3A_178 = tpu.memref_slice %arg2[%add3A, %dma_start3A] : memref<8x20480xi32, #tpu.memory_space<hbm>> -> memref<1x20480xi32, #tpu.memory_space<hbm>>
        %dma_start3A_179 = tpu.memref_squeeze %dma_start3A_178 : memref<1x20480xi32, #tpu.memory_space<hbm>> -> memref<20480xi32, #tpu.memory_space<hbm>>
        %dma_start3A_180 = arith.constant 0 : i32
        %dma_start3A_181 = tpu.memref_slice %arg2[%add3A, %dma_start3A_180] : memref<8x20480xi32, #tpu.memory_space<hbm>> -> memref<1x20480xi32, #tpu.memory_space<hbm>>
        %dma_start3A_182 = tpu.memref_squeeze %dma_start3A_181 : memref<1x20480xi32, #tpu.memory_space<hbm>> -> memref<20480xi32, #tpu.memory_space<hbm>>
        tpu.enqueue_dma source(%dma_start3A_182 : memref<20480xi32, #tpu.memory_space<hbm>>) target(%arg6 : memref<20480xi32, #tpu.memory_space<vmem>>) target_semaphore(%run_scoped3A : memref<!tpu.dma_semaphore, #tpu.memory_space<semaphore_mem>>)
        %dma_wait3A = arith.constant 0 : i32
        %dma_wait3A_183 = tpu.memref_slice %arg2[%add3A, %dma_wait3A] : memref<8x20480xi32, #tpu.memory_space<hbm>> -> memref<1x20480xi32, #tpu.memory_space<hbm>>
        %dma_wait3A_184 = tpu.memref_squeeze %dma_wait3A_183 : memref<1x20480xi32, #tpu.memory_space<hbm>> -> memref<20480xi32, #tpu.memory_space<hbm>>
        %dma_wait3A_185 = arith.constant 0 : i32
        %dma_wait3A_186 = tpu.memref_slice %arg2[%add3A, %dma_wait3A_185] : memref<8x20480xi32, #tpu.memory_space<hbm>> -> memref<1x20480xi32, #tpu.memory_space<hbm>>
        %dma_wait3A_187 = tpu.memref_squeeze %dma_wait3A_186 : memref<1x20480xi32, #tpu.memory_space<hbm>> -> memref<20480xi32, #tpu.memory_space<hbm>>
        tpu.wait_dma2 semaphore(%run_scoped3A : memref<!tpu.dma_semaphore, #tpu.memory_space<semaphore_mem>>) src(%dma_wait3A_187 : memref<20480xi32, #tpu.memory_space<hbm>>) dst(%arg6 : memref<20480xi32, #tpu.memory_space<vmem>>)
        tpu.yield
      }) : () -> ()
      %iota3A = tpu.iota {dimensions = array<i32: 0>} : vector<16xi32>
      %broadcast_in_dim3A = arith.constant 1 : i32
      %broadcast_in_dim3A_34 = vector.broadcast %broadcast_in_dim3A : i32 to vector<16xi32>
      %parallel_loop3A = arith.constant 0 : i32
      %parallel_loop3A_35 = arith.constant 256 : i32
      %parallel_loop3A_36 = arith.constant 1 : i32
      scf.for %parallel_loop3A_178 = %parallel_loop3A to %parallel_loop3A_35 step %parallel_loop3A_36  : i32 {
        %parallel_loop3A_179 = arith.constant 0 : i32
        %parallel_loop3A_180 = vector.broadcast %parallel_loop3A_179 : i32 to vector<16xi32>
        %parallel_loop3A_181 = arith.constant 16 : i32
        %parallel_loop3A_182 = arith.muli %parallel_loop3A_178, %parallel_loop3A_181 : i32
        %parallel_loop3A_183 = arith.index_cast %parallel_loop3A_182 : i32 to index
        %parallel_loop3A_184 = tpu.vector_load %arg7[%parallel_loop3A_183] {strides = array<i32>} : memref<4096xi32, #tpu.memory_space<vmem>>, vector<16xi32>,
        tpu.vector_store %arg7[%parallel_loop3A_183], %parallel_loop3A_180 {strides = array<i32>} : memref<4096xi32, #tpu.memory_space<vmem>>, vector<16xi32>,
      } {sc.loop_unroll_factor = 8 : i64, sc.parallel_access}
      %broadcast_in_dim3A_37 = arith.constant 0 : i32
      %broadcast_in_dim3A_38 = vector.broadcast %broadcast_in_dim3A_37 : i32 to vector<16xi32>
      %parallel_loop3A_39 = arith.constant 0 : i32
      %parallel_loop3A_40 = arith.constant 1280 : i32
      %parallel_loop3A_41 = arith.constant 1 : i32
      %parallel_loop3A_42 = scf.for %parallel_loop3A_178 = %parallel_loop3A_39 to %parallel_loop3A_40 step %parallel_loop3A_41 iter_args(%parallel_loop3A_179 = %broadcast_in_dim3A_38) -> (vector<16xi32>)  : i32 {
        %parallel_loop3A_180 = arith.constant 16 : i32
        %parallel_loop3A_181 = arith.muli %parallel_loop3A_178, %parallel_loop3A_180 : i32
        %parallel_loop3A_182 = arith.index_cast %parallel_loop3A_181 : i32 to index
        %parallel_loop3A_183 = tpu.vector_load %arg6[%parallel_loop3A_182] {strides = array<i32>} : memref<20480xi32, #tpu.memory_space<vmem>>, vector<16xi32>,
        %parallel_loop3A_184 = arith.constant 24 : i32
        %parallel_loop3A_185 = vector.broadcast %parallel_loop3A_184 : i32 to vector<16xi32>
        %parallel_loop3A_186 = arith.shrui %parallel_loop3A_183, %parallel_loop3A_185 : vector<16xi32>
        %parallel_loop3A_187 = arith.constant 16 : i32
        %parallel_loop3A_188 = vector.broadcast %parallel_loop3A_187 : i32 to vector<16xi32>
        %parallel_loop3A_189 = arith.muli %parallel_loop3A_186, %parallel_loop3A_188 : vector<16xi32>
        %parallel_loop3A_190 = arith.addi %parallel_loop3A_189, %iota3A : vector<16xi32>
        %parallel_loop3A_191 = arith.constant 0 : i32
        %parallel_loop3A_192 = vector.broadcast %parallel_loop3A_191 : i32 to vector<16xi32>
        %parallel_loop3A_193 = arith.cmpi sge, %parallel_loop3A_183, %parallel_loop3A_192 : vector<16xi32>
        tpu.vector_store_idx %arg7[%parallel_loop3A_190], %broadcast_in_dim3A_34 masked %parallel_loop3A_193 {add = true} : memref<4096xi32, #tpu.memory_space<vmem>>[vector<16xi32>], vector<16xi32>, vector<16xi1>
        %parallel_loop3A_194 = arith.constant -2 : i32
        %parallel_loop3A_195 = vector.broadcast %parallel_loop3A_194 : i32 to vector<16xi32>
        %parallel_loop3A_196 = arith.cmpi eq, %parallel_loop3A_183, %parallel_loop3A_195 : vector<16xi32>
        %parallel_loop3A_197 = arith.extui %parallel_loop3A_196 : vector<16xi1> to vector<16xi32>
        %parallel_loop3A_198 = arith.addi %parallel_loop3A_179, %parallel_loop3A_197 : vector<16xi32>
        scf.yield %parallel_loop3A_198 : vector<16xi32>
      } {sc.loop_unroll_factor = 8 : i64, sc.parallel_access}
      %reduce_sum3A = arith.constant true
      %reduce_sum3A_43 = vector.broadcast %reduce_sum3A : i1 to vector<16xi1>
      %reduce_sum3A_44 = tpu.scan <sum>, %parallel_loop3A_42 masked %reduce_sum3A_43 : vector<16xi32>, vector<16xi1> -> vector<16xi32>
      %reduce_sum3A_45 = vector.extract %reduce_sum3A_44[15] : i32 from vector<16xi32>
      %mul3A_46 = arith.constant 3 : i32
      %mul3A_47 = arith.muli %mul3A_46, %reduce_sum3A_45 : i32
      %sub3A_48 = arith.constant 20000 : i32
      %sub3A_49 = arith.subi %sub3A_48, %reduce_sum3A_45 : i32
      %min3A = arith.minsi %mul3A_47, %sub3A_49 : i32
      %while3A = arith.constant 256 : i32
      %while3A_50 = arith.constant 0 : i32
      %while3A_51 = arith.constant 0 : i32
      %while3A_52:3 = scf.while (%while3A_178 = %while3A, %while3A_179 = %while3A_50, %while3A_180 = %while3A_51) : (i32, i32, i32) -> (i32, i32, i32) {
        %lt3A_181 = arith.cmpi slt, %while3A_179, %min3A : i32
        scf.condition(%lt3A_181) %while3A_178, %while3A_179, %while3A_180 : i32, i32, i32
      } do {
      ^bb0(%while3A_178: i32, %while3A_179: i32, %while3A_180: i32):
        %sub3A_181 = arith.constant 1 : i32
        %sub3A_182 = arith.subi %while3A_178, %sub3A_181 : i32
        %mul3A_183 = arith.constant 16 : i32
        %mul3A_184 = arith.muli %sub3A_182, %mul3A_183 : i32
        %get3A_185 = arith.index_cast %mul3A_184 : i32 to index
        %get3A_186 = tpu.vector_load %arg7[%get3A_185] {strides = array<i32>} : memref<4096xi32, #tpu.memory_space<vmem>>, vector<16xi32>,
        %reduce_sum3A_187 = arith.constant true
        %reduce_sum3A_188 = vector.broadcast %reduce_sum3A_187 : i1 to vector<16xi1>
        %reduce_sum3A_189 = tpu.scan <sum>, %get3A_186 masked %reduce_sum3A_188 : vector<16xi32>, vector<16xi1> -> vector<16xi32>
        %reduce_sum3A_190 = vector.extract %reduce_sum3A_189[15] : i32 from vector<16xi32>
        %add3A_191 = arith.addi %while3A_179, %reduce_sum3A_190 : i32
        scf.yield %sub3A_182, %add3A_191, %reduce_sum3A_190 : i32, i32, i32
      }
      %sub3A_53 = arith.subi %while3A_52#1, %while3A_52#2 : i32
      %sub3A_54 = arith.subi %min3A, %sub3A_53 : i32
      %parallel_loop3A_55 = arith.constant 0 : i32
      %parallel_loop3A_56 = arith.constant 256 : i32
      %parallel_loop3A_57 = arith.constant 1 : i32
      scf.for %parallel_loop3A_178 = %parallel_loop3A_55 to %parallel_loop3A_56 step %parallel_loop3A_57  : i32 {
        %parallel_loop3A_179 = arith.constant 0 : i32
        %parallel_loop3A_180 = vector.broadcast %parallel_loop3A_179 : i32 to vector<16xi32>
        %parallel_loop3A_181 = arith.constant 16 : i32
        %parallel_loop3A_182 = arith.muli %parallel_loop3A_178, %parallel_loop3A_181 : i32
        %parallel_loop3A_183 = arith.index_cast %parallel_loop3A_182 : i32 to index
        %parallel_loop3A_184 = tpu.vector_load %arg7[%parallel_loop3A_183] {strides = array<i32>} : memref<4096xi32, #tpu.memory_space<vmem>>, vector<16xi32>,
        tpu.vector_store %arg7[%parallel_loop3A_183], %parallel_loop3A_180 {strides = array<i32>} : memref<4096xi32, #tpu.memory_space<vmem>>, vector<16xi32>,
      } {sc.loop_unroll_factor = 8 : i64, sc.parallel_access}
      %parallel_loop3A_58 = arith.constant 0 : i32
      %parallel_loop3A_59 = arith.constant 1280 : i32
      %parallel_loop3A_60 = arith.constant 1 : i32
      scf.for %parallel_loop3A_178 = %parallel_loop3A_58 to %parallel_loop3A_59 step %parallel_loop3A_60  : i32 {
        %parallel_loop3A_179 = arith.constant 16 : i32
        %parallel_loop3A_180 = arith.muli %parallel_loop3A_178, %parallel_loop3A_179 : i32
        %parallel_loop3A_181 = arith.index_cast %parallel_loop3A_180 : i32 to index
        %parallel_loop3A_182 = tpu.vector_load %arg6[%parallel_loop3A_181] {strides = array<i32>} : memref<20480xi32, #tpu.memory_space<vmem>>, vector<16xi32>,
        %parallel_loop3A_183 = arith.constant 24 : i32
        %parallel_loop3A_184 = vector.broadcast %parallel_loop3A_183 : i32 to vector<16xi32>
        %parallel_loop3A_185 = arith.shrui %parallel_loop3A_182, %parallel_loop3A_184 : vector<16xi32>
        %parallel_loop3A_186 = vector.broadcast %while3A_52#0 : i32 to vector<16xi32>
        %parallel_loop3A_187 = arith.cmpi eq, %parallel_loop3A_185, %parallel_loop3A_186 : vector<16xi32>
        %parallel_loop3A_188 = arith.constant 16 : i32
        %parallel_loop3A_189 = vector.broadcast %parallel_loop3A_188 : i32 to vector<16xi32>
        %parallel_loop3A_190 = arith.shrui %parallel_loop3A_182, %parallel_loop3A_189 : vector<16xi32>
        %parallel_loop3A_191 = arith.constant 255 : i32
        %parallel_loop3A_192 = vector.broadcast %parallel_loop3A_191 : i32 to vector<16xi32>
        %parallel_loop3A_193 = arith.andi %parallel_loop3A_190, %parallel_loop3A_192 : vector<16xi32>
        %parallel_loop3A_194 = arith.constant 16 : i32
        %parallel_loop3A_195 = vector.broadcast %parallel_loop3A_194 : i32 to vector<16xi32>
        %parallel_loop3A_196 = arith.muli %parallel_loop3A_193, %parallel_loop3A_195 : vector<16xi32>
        %parallel_loop3A_197 = arith.addi %parallel_loop3A_196, %iota3A : vector<16xi32>
        tpu.vector_store_idx %arg7[%parallel_loop3A_197], %broadcast_in_dim3A_34 masked %parallel_loop3A_187 {add = true} : memref<4096xi32, #tpu.memory_space<vmem>>[vector<16xi32>], vector<16xi32>, vector<16xi1>
      } {sc.loop_unroll_factor = 8 : i64, sc.parallel_access}
      %while3A_61 = arith.constant 256 : i32
      %while3A_62 = arith.constant 0 : i32
      %while3A_63 = arith.constant 0 : i32
      %while3A_64:3 = scf.while (%while3A_178 = %while3A_61, %while3A_179 = %while3A_62, %while3A_180 = %while3A_63) : (i32, i32, i32) -> (i32, i32, i32) {
        %lt3A_181 = arith.cmpi slt, %while3A_179, %sub3A_54 : i32
        scf.condition(%lt3A_181) %while3A_178, %while3A_179, %while3A_180 : i32, i32, i32
      } do {
      ^bb0(%while3A_178: i32, %while3A_179: i32, %while3A_180: i32):
        %sub3A_181 = arith.constant 1 : i32
        %sub3A_182 = arith.subi %while3A_178, %sub3A_181 : i32
        %mul3A_183 = arith.constant 16 : i32
        %mul3A_184 = arith.muli %sub3A_182, %mul3A_183 : i32
        %get3A_185 = arith.index_cast %mul3A_184 : i32 to index
        %get3A_186 = tpu.vector_load %arg7[%get3A_185] {strides = array<i32>} : memref<4096xi32, #tpu.memory_space<vmem>>, vector<16xi32>,
        %reduce_sum3A_187 = arith.constant true
        %reduce_sum3A_188 = vector.broadcast %reduce_sum3A_187 : i1 to vector<16xi1>
        %reduce_sum3A_189 = tpu.scan <sum>, %get3A_186 masked %reduce_sum3A_188 : vector<16xi32>, vector<16xi1> -> vector<16xi32>
        %reduce_sum3A_190 = vector.extract %reduce_sum3A_189[15] : i32 from vector<16xi32>
        %add3A_191 = arith.addi %while3A_179, %reduce_sum3A_190 : i32
        scf.yield %sub3A_182, %add3A_191, %reduce_sum3A_190 : i32, i32, i32
      }
      %sub3A_65 = arith.subi %while3A_64#1, %while3A_64#2 : i32
      %sub3A_66 = arith.subi %sub3A_54, %sub3A_65 : i32
      %shift_left3A = arith.constant 8 : i32
      %shift_left3A_67 = arith.shli %while3A_52#0, %shift_left3A : i32
      %or3A = arith.ori %shift_left3A_67, %while3A_64#0 : i32
      %parallel_loop3A_68 = arith.constant 0 : i32
      %parallel_loop3A_69 = arith.constant 256 : i32
      %parallel_loop3A_70 = arith.constant 1 : i32
      scf.for %parallel_loop3A_178 = %parallel_loop3A_68 to %parallel_loop3A_69 step %parallel_loop3A_70  : i32 {
        %parallel_loop3A_179 = arith.constant 0 : i32
        %parallel_loop3A_180 = vector.broadcast %parallel_loop3A_179 : i32 to vector<16xi32>
        %parallel_loop3A_181 = arith.constant 16 : i32
        %parallel_loop3A_182 = arith.muli %parallel_loop3A_178, %parallel_loop3A_181 : i32
        %parallel_loop3A_183 = arith.index_cast %parallel_loop3A_182 : i32 to index
        %parallel_loop3A_184 = tpu.vector_load %arg7[%parallel_loop3A_183] {strides = array<i32>} : memref<4096xi32, #tpu.memory_space<vmem>>, vector<16xi32>,
        tpu.vector_store %arg7[%parallel_loop3A_183], %parallel_loop3A_180 {strides = array<i32>} : memref<4096xi32, #tpu.memory_space<vmem>>, vector<16xi32>,
      } {sc.loop_unroll_factor = 8 : i64, sc.parallel_access}
      %parallel_loop3A_71 = arith.constant 0 : i32
      %parallel_loop3A_72 = arith.constant 1280 : i32
      %parallel_loop3A_73 = arith.constant 1 : i32
      scf.for %parallel_loop3A_178 = %parallel_loop3A_71 to %parallel_loop3A_72 step %parallel_loop3A_73  : i32 {
        %parallel_loop3A_179 = arith.constant 16 : i32
        %parallel_loop3A_180 = arith.muli %parallel_loop3A_178, %parallel_loop3A_179 : i32
        %parallel_loop3A_181 = arith.index_cast %parallel_loop3A_180 : i32 to index
        %parallel_loop3A_182 = tpu.vector_load %arg6[%parallel_loop3A_181] {strides = array<i32>} : memref<20480xi32, #tpu.memory_space<vmem>>, vector<16xi32>,
        %parallel_loop3A_183 = arith.constant 16 : i32
        %parallel_loop3A_184 = vector.broadcast %parallel_loop3A_183 : i32 to vector<16xi32>
        %parallel_loop3A_185 = arith.shrui %parallel_loop3A_182, %parallel_loop3A_184 : vector<16xi32>
        %parallel_loop3A_186 = vector.broadcast %or3A : i32 to vector<16xi32>
        %parallel_loop3A_187 = arith.cmpi eq, %parallel_loop3A_185, %parallel_loop3A_186 : vector<16xi32>
        %parallel_loop3A_188 = arith.constant 8 : i32
        %parallel_loop3A_189 = vector.broadcast %parallel_loop3A_188 : i32 to vector<16xi32>
        %parallel_loop3A_190 = arith.shrui %parallel_loop3A_182, %parallel_loop3A_189 : vector<16xi32>
        %parallel_loop3A_191 = arith.constant 255 : i32
        %parallel_loop3A_192 = vector.broadcast %parallel_loop3A_191 : i32 to vector<16xi32>
        %parallel_loop3A_193 = arith.andi %parallel_loop3A_190, %parallel_loop3A_192 : vector<16xi32>
        %parallel_loop3A_194 = arith.constant 16 : i32
        %parallel_loop3A_195 = vector.broadcast %parallel_loop3A_194 : i32 to vector<16xi32>
        %parallel_loop3A_196 = arith.muli %parallel_loop3A_193, %parallel_loop3A_195 : vector<16xi32>
        %parallel_loop3A_197 = arith.addi %parallel_loop3A_196, %iota3A : vector<16xi32>
        tpu.vector_store_idx %arg7[%parallel_loop3A_197], %broadcast_in_dim3A_34 masked %parallel_loop3A_187 {add = true} : memref<4096xi32, #tpu.memory_space<vmem>>[vector<16xi32>], vector<16xi32>, vector<16xi1>
      } {sc.loop_unroll_factor = 8 : i64, sc.parallel_access}
      %while3A_74 = arith.constant 256 : i32
      %while3A_75 = arith.constant 0 : i32
      %while3A_76 = arith.constant 0 : i32
      %while3A_77:3 = scf.while (%while3A_178 = %while3A_74, %while3A_179 = %while3A_75, %while3A_180 = %while3A_76) : (i32, i32, i32) -> (i32, i32, i32) {
        %lt3A_181 = arith.cmpi slt, %while3A_179, %sub3A_66 : i32
        scf.condition(%lt3A_181) %while3A_178, %while3A_179, %while3A_180 : i32, i32, i32
      } do {
      ^bb0(%while3A_178: i32, %while3A_179: i32, %while3A_180: i32):
        %sub3A_181 = arith.constant 1 : i32
        %sub3A_182 = arith.subi %while3A_178, %sub3A_181 : i32
        %mul3A_183 = arith.constant 16 : i32
        %mul3A_184 = arith.muli %sub3A_182, %mul3A_183 : i32
        %get3A_185 = arith.index_cast %mul3A_184 : i32 to index
        %get3A_186 = tpu.vector_load %arg7[%get3A_185] {strides = array<i32>} : memref<4096xi32, #tpu.memory_space<vmem>>, vector<16xi32>,
        %reduce_sum3A_187 = arith.constant true
        %reduce_sum3A_188 = vector.broadcast %reduce_sum3A_187 : i1 to vector<16xi1>
        %reduce_sum3A_189 = tpu.scan <sum>, %get3A_186 masked %reduce_sum3A_188 : vector<16xi32>, vector<16xi1> -> vector<16xi32>
        %reduce_sum3A_190 = vector.extract %reduce_sum3A_189[15] : i32 from vector<16xi32>
        %add3A_191 = arith.addi %while3A_179, %reduce_sum3A_190 : i32
        scf.yield %sub3A_182, %add3A_191, %reduce_sum3A_190 : i32, i32, i32
      }
      %sub3A_78 = arith.subi %while3A_77#1, %while3A_77#2 : i32
      %sub3A_79 = arith.subi %sub3A_66, %sub3A_78 : i32
      %shift_left3A_80 = arith.constant 8 : i32
      %shift_left3A_81 = arith.shli %or3A, %shift_left3A_80 : i32
      %or3A_82 = arith.ori %shift_left3A_81, %while3A_77#0 : i32
      %parallel_loop3A_83 = arith.constant 0 : i32
      %parallel_loop3A_84 = arith.constant 256 : i32
      %parallel_loop3A_85 = arith.constant 1 : i32
      scf.for %parallel_loop3A_178 = %parallel_loop3A_83 to %parallel_loop3A_84 step %parallel_loop3A_85  : i32 {
        %parallel_loop3A_179 = arith.constant 0 : i32
        %parallel_loop3A_180 = vector.broadcast %parallel_loop3A_179 : i32 to vector<16xi32>
        %parallel_loop3A_181 = arith.constant 16 : i32
        %parallel_loop3A_182 = arith.muli %parallel_loop3A_178, %parallel_loop3A_181 : i32
        %parallel_loop3A_183 = arith.index_cast %parallel_loop3A_182 : i32 to index
        %parallel_loop3A_184 = tpu.vector_load %arg7[%parallel_loop3A_183] {strides = array<i32>} : memref<4096xi32, #tpu.memory_space<vmem>>, vector<16xi32>,
        tpu.vector_store %arg7[%parallel_loop3A_183], %parallel_loop3A_180 {strides = array<i32>} : memref<4096xi32, #tpu.memory_space<vmem>>, vector<16xi32>,
      } {sc.loop_unroll_factor = 8 : i64, sc.parallel_access}
      %parallel_loop3A_86 = arith.constant 0 : i32
      %parallel_loop3A_87 = arith.constant 1280 : i32
      %parallel_loop3A_88 = arith.constant 1 : i32
      scf.for %parallel_loop3A_178 = %parallel_loop3A_86 to %parallel_loop3A_87 step %parallel_loop3A_88  : i32 {
        %parallel_loop3A_179 = arith.constant 16 : i32
        %parallel_loop3A_180 = arith.muli %parallel_loop3A_178, %parallel_loop3A_179 : i32
        %parallel_loop3A_181 = arith.index_cast %parallel_loop3A_180 : i32 to index
        %parallel_loop3A_182 = tpu.vector_load %arg6[%parallel_loop3A_181] {strides = array<i32>} : memref<20480xi32, #tpu.memory_space<vmem>>, vector<16xi32>,
        %parallel_loop3A_183 = arith.constant 8 : i32
        %parallel_loop3A_184 = vector.broadcast %parallel_loop3A_183 : i32 to vector<16xi32>
        %parallel_loop3A_185 = arith.shrui %parallel_loop3A_182, %parallel_loop3A_184 : vector<16xi32>
        %parallel_loop3A_186 = vector.broadcast %or3A_82 : i32 to vector<16xi32>
        %parallel_loop3A_187 = arith.cmpi eq, %parallel_loop3A_185, %parallel_loop3A_186 : vector<16xi32>
        %parallel_loop3A_188 = arith.constant 255 : i32
        %parallel_loop3A_189 = vector.broadcast %parallel_loop3A_188 : i32 to vector<16xi32>
        %parallel_loop3A_190 = arith.andi %parallel_loop3A_182, %parallel_loop3A_189 : vector<16xi32>
        %parallel_loop3A_191 = arith.constant 16 : i32
        %parallel_loop3A_192 = vector.broadcast %parallel_loop3A_191 : i32 to vector<16xi32>
        %parallel_loop3A_193 = arith.muli %parallel_loop3A_190, %parallel_loop3A_192 : vector<16xi32>
        %parallel_loop3A_194 = arith.addi %parallel_loop3A_193, %iota3A : vector<16xi32>
        tpu.vector_store_idx %arg7[%parallel_loop3A_194], %broadcast_in_dim3A_34 masked %parallel_loop3A_187 {add = true} : memref<4096xi32, #tpu.memory_space<vmem>>[vector<16xi32>], vector<16xi32>, vector<16xi1>
      } {sc.loop_unroll_factor = 8 : i64, sc.parallel_access}
      %while3A_89 = arith.constant 256 : i32
      %while3A_90 = arith.constant 0 : i32
      %while3A_91 = arith.constant 0 : i32
      %while3A_92:3 = scf.while (%while3A_178 = %while3A_89, %while3A_179 = %while3A_90, %while3A_180 = %while3A_91) : (i32, i32, i32) -> (i32, i32, i32) {
        %lt3A_181 = arith.cmpi slt, %while3A_179, %sub3A_79 : i32
        scf.condition(%lt3A_181) %while3A_178, %while3A_179, %while3A_180 : i32, i32, i32
      } do {
      ^bb0(%while3A_178: i32, %while3A_179: i32, %while3A_180: i32):
        %sub3A_181 = arith.constant 1 : i32
        %sub3A_182 = arith.subi %while3A_178, %sub3A_181 : i32
        %mul3A_183 = arith.constant 16 : i32
        %mul3A_184 = arith.muli %sub3A_182, %mul3A_183 : i32
        %get3A_185 = arith.index_cast %mul3A_184 : i32 to index
        %get3A_186 = tpu.vector_load %arg7[%get3A_185] {strides = array<i32>} : memref<4096xi32, #tpu.memory_space<vmem>>, vector<16xi32>,
        %reduce_sum3A_187 = arith.constant true
        %reduce_sum3A_188 = vector.broadcast %reduce_sum3A_187 : i1 to vector<16xi1>
        %reduce_sum3A_189 = tpu.scan <sum>, %get3A_186 masked %reduce_sum3A_188 : vector<16xi32>, vector<16xi1> -> vector<16xi32>
        %reduce_sum3A_190 = vector.extract %reduce_sum3A_189[15] : i32 from vector<16xi32>
        %add3A_191 = arith.addi %while3A_179, %reduce_sum3A_190 : i32
        scf.yield %sub3A_182, %add3A_191, %reduce_sum3A_190 : i32, i32, i32
      }
      %sub3A_93 = arith.subi %while3A_92#1, %while3A_92#2 : i32
      %sub3A_94 = arith.subi %sub3A_79, %sub3A_93 : i32
      %shift_left3A_95 = arith.constant 8 : i32
      %shift_left3A_96 = arith.shli %or3A_82, %shift_left3A_95 : i32
      %or3A_97 = arith.ori %shift_left3A_96, %while3A_92#0 : i32
      %gt3A = arith.constant 0 : i32
      %gt3A_98 = arith.cmpi sgt, %min3A, %gt3A : i32
      %jit3A_99 = arith.constant 2147483647 : i32
      %select_n3A_100 = arith.select %gt3A_98, %or3A_97, %jit3A_99 : i32
      %jit3A_101 = arith.constant 0 : i32
      %select_n3A_102 = arith.select %gt3A_98, %sub3A_94, %jit3A_101 : i32
      %mul3A_103 = arith.constant 4 : i32
      %mul3A_104 = arith.muli %mul3A_103, %reduce_sum3A_45 : i32
      %or3A_105 = arith.constant 1 : i32
      %or3A_106 = arith.ori %mul3A_104, %or3A_105 : i32
      %broadcast_in_dim3A_107 = vector.broadcast %or3A_106 : i32 to vector<16xi32>
      %convert_element_type3A_108 = arith.sitofp %broadcast_in_dim3A_107 : vector<16xi32> to vector<16xf32>
      %bitcast_convert_type3A = tpu.bitcast %convert_element_type3A_108 : vector<16xf32> -> vector<16xi32>
      %sub3A_109 = arith.constant 2129733610 : i32
      %sub3A_110 = vector.broadcast %sub3A_109 : i32 to vector<16xi32>
      %sub3A_111 = arith.subi %sub3A_110, %bitcast_convert_type3A : vector<16xi32>
      %bitcast_convert_type3A_112 = tpu.bitcast %sub3A_111 : vector<16xi32> -> vector<16xf32>
      %mul3A_113 = arith.mulf %convert_element_type3A_108, %bitcast_convert_type3A_112 : vector<16xf32>
      %sub3A_114 = arith.constant 2.000000e+00 : f32
      %sub3A_115 = vector.broadcast %sub3A_114 : f32 to vector<16xf32>
      %sub3A_116 = arith.subf %sub3A_115, %mul3A_113 : vector<16xf32>
      %mul3A_117 = arith.mulf %bitcast_convert_type3A_112, %sub3A_116 : vector<16xf32>
      %mul3A_118 = arith.mulf %convert_element_type3A_108, %mul3A_117 : vector<16xf32>
      %sub3A_119 = arith.constant 2.000000e+00 : f32
      %sub3A_120 = vector.broadcast %sub3A_119 : f32 to vector<16xf32>
      %sub3A_121 = arith.subf %sub3A_120, %mul3A_118 : vector<16xf32>
      %mul3A_122 = arith.mulf %mul3A_117, %sub3A_121 : vector<16xf32>
      %mul3A_123 = arith.mulf %convert_element_type3A_108, %mul3A_122 : vector<16xf32>
      %sub3A_124 = arith.constant 2.000000e+00 : f32
      %sub3A_125 = vector.broadcast %sub3A_124 : f32 to vector<16xf32>
      %sub3A_126 = arith.subf %sub3A_125, %mul3A_123 : vector<16xf32>
      %mul3A_127 = arith.mulf %mul3A_122, %sub3A_126 : vector<16xf32>
      %mul3A_128 = arith.mulf %convert_element_type3A_108, %mul3A_127 : vector<16xf32>
      %sub3A_129 = arith.constant 2.000000e+00 : f32
      %sub3A_130 = vector.broadcast %sub3A_129 : f32 to vector<16xf32>
      %sub3A_131 = arith.subf %sub3A_130, %mul3A_128 : vector<16xf32>
      %mul3A_132 = arith.mulf %mul3A_127, %sub3A_131 : vector<16xf32>
      %while3A_133 = arith.constant 0 : i32
      %while3A_134 = arith.constant 0 : i32
      %while3A_135:2 = scf.while (%while3A_178 = %while3A_133, %while3A_179 = %while3A_134) : (i32, i32) -> (i32, i32) {
        %lt3A_180 = arith.cmpi slt, %while3A_179, %select_n3A_102 : i32
        %lt3A_181 = arith.constant 1280 : i32
        %lt3A_182 = arith.cmpi slt, %while3A_178, %lt3A_181 : i32
        %and3A_183 = arith.andi %lt3A_180, %lt3A_182 : i1
        scf.condition(%and3A_183) %while3A_178, %while3A_179 : i32, i32
      } do {
      ^bb0(%while3A_178: i32, %while3A_179: i32):
        %mul3A_180 = arith.constant 16 : i32
        %mul3A_181 = arith.muli %while3A_178, %mul3A_180 : i32
        %get3A_182 = arith.index_cast %mul3A_181 : i32 to index
        %get3A_183 = tpu.vector_load %arg6[%get3A_182] {strides = array<i32>} : memref<20480xi32, #tpu.memory_space<vmem>>, vector<16xi32>,
        %add3A_184 = arith.constant 1 : i32
        %add3A_185 = arith.addi %while3A_178, %add3A_184 : i32
        %eq3A_186 = vector.broadcast %select_n3A_100 : i32 to vector<16xi32>
        %eq3A_187 = arith.cmpi eq, %get3A_183, %eq3A_186 : vector<16xi32>
        %convert_element_type3A_188 = arith.extui %eq3A_187 : vector<16xi1> to vector<16xi32>
        %reduce_sum3A_189 = arith.constant true
        %reduce_sum3A_190 = vector.broadcast %reduce_sum3A_189 : i1 to vector<16xi1>
        %reduce_sum3A_191 = tpu.scan <sum>, %convert_element_type3A_188 masked %reduce_sum3A_190 : vector<16xi32>, vector<16xi1> -> vector<16xi32>
        %reduce_sum3A_192 = vector.extract %reduce_sum3A_191[15] : i32 from vector<16xi32>
        %add3A_193 = arith.addi %while3A_179, %reduce_sum3A_192 : i32
        scf.yield %add3A_185, %add3A_193 : i32, i32
      }
      %sub3A_136 = arith.constant 1 : i32
      %sub3A_137 = arith.subi %while3A_135#0, %sub3A_136 : i32
      %max3A = arith.constant 0 : i32
      %max3A_138 = arith.maxsi %sub3A_137, %max3A : i32
      %mul3A_139 = arith.constant 16 : i32
      %mul3A_140 = arith.muli %max3A_138, %mul3A_139 : i32
      %get3A = arith.index_cast %mul3A_140 : i32 to index
      %get3A_141 = tpu.vector_load %arg6[%get3A] {strides = array<i32>} : memref<20480xi32, #tpu.memory_space<vmem>>, vector<16xi32>,
      %eq3A_142 = vector.broadcast %select_n3A_100 : i32 to vector<16xi32>
      %eq3A_143 = arith.cmpi eq, %get3A_141, %eq3A_142 : vector<16xi32>
      %convert_element_type3A_144 = arith.extui %eq3A_143 : vector<16xi1> to vector<16xi32>
      %broadcast_in_dim3A_145 = arith.constant true
      %broadcast_in_dim3A_146 = vector.broadcast %broadcast_in_dim3A_145 : i1 to vector<16xi1>
      %masked_cumsum3A = tpu.scan <sum>, %convert_element_type3A_144 masked %broadcast_in_dim3A_146 : vector<16xi32>, vector<16xi1> -> vector<16xi32>
      %reduce_sum3A_147 = arith.constant true
      %reduce_sum3A_148 = vector.broadcast %reduce_sum3A_147 : i1 to vector<16xi1>
      %reduce_sum3A_149 = tpu.scan <sum>, %convert_element_type3A_144 masked %reduce_sum3A_148 : vector<16xi32>, vector<16xi1> -> vector<16xi32>
      %reduce_sum3A_150 = vector.extract %reduce_sum3A_149[15] : i32 from vector<16xi32>
      %sub3A_151 = arith.subi %while3A_135#1, %reduce_sum3A_150 : i32
      %sub3A_152 = arith.subi %select_n3A_102, %sub3A_151 : i32
      %gt3A_153 = arith.constant 0 : i32
      %gt3A_154 = vector.broadcast %gt3A_153 : i32 to vector<16xi32>
      %gt3A_155 = arith.cmpi sgt, %convert_element_type3A_144, %gt3A_154 : vector<16xi32>
      %eq3A_156 = vector.broadcast %sub3A_152 : i32 to vector<16xi32>
      %eq3A_157 = arith.cmpi eq, %masked_cumsum3A, %eq3A_156 : vector<16xi32>
      %and3A_158 = arith.andi %gt3A_155, %eq3A_157 : vector<16xi1>
      %broadcast_in_dim3A_159 = arith.constant 0 : i32
      %broadcast_in_dim3A_160 = vector.broadcast %broadcast_in_dim3A_159 : i32 to vector<16xi32>
      %select_n3A_161 = arith.select %and3A_158, %iota3A, %broadcast_in_dim3A_160 : vector<16xi1>, vector<16xi32>
      %reduce_sum3A_162 = arith.constant true
      %reduce_sum3A_163 = vector.broadcast %reduce_sum3A_162 : i1 to vector<16xi1>
      %reduce_sum3A_164 = tpu.scan <sum>, %select_n3A_161 masked %reduce_sum3A_163 : vector<16xi32>, vector<16xi1> -> vector<16xi32>
      %reduce_sum3A_165 = vector.extract %reduce_sum3A_164[15] : i32 from vector<16xi32>
      %mul3A_166 = arith.constant 16 : i32
      %mul3A_167 = arith.muli %max3A_138, %mul3A_166 : i32
      %add3A_168 = arith.addi %mul3A_167, %reduce_sum3A_165 : i32
      %add3A_169 = arith.constant 1 : i32
      %add3A_170 = arith.addi %add3A_168, %add3A_169 : i32
      %gt3A_171 = arith.constant 0 : i32
      %gt3A_172 = arith.cmpi sgt, %select_n3A_102, %gt3A_171 : i32
      %jit3A_173 = arith.constant 0 : i32
      %select_n3A_174 = arith.select %gt3A_172, %add3A_170, %jit3A_173 : i32
      %parallel_loop3A_175 = arith.constant 0 : i32
      %parallel_loop3A_176 = arith.constant 1280 : i32
      %parallel_loop3A_177 = arith.constant 1 : i32
      scf.for %parallel_loop3A_178 = %parallel_loop3A_175 to %parallel_loop3A_176 step %parallel_loop3A_177  : i32 {
        %parallel_loop3A_179 = arith.constant 16 : i32
        %parallel_loop3A_180 = arith.muli %parallel_loop3A_178, %parallel_loop3A_179 : i32
        %parallel_loop3A_181 = arith.index_cast %parallel_loop3A_180 : i32 to index
        %parallel_loop3A_182 = tpu.vector_load %arg6[%parallel_loop3A_181] {strides = array<i32>} : memref<20480xi32, #tpu.memory_space<vmem>>, vector<16xi32>,
        %parallel_loop3A_183 = arith.constant -2 : i32
        %parallel_loop3A_184 = vector.broadcast %parallel_loop3A_183 : i32 to vector<16xi32>
        %parallel_loop3A_185 = arith.cmpi eq, %parallel_loop3A_182, %parallel_loop3A_184 : vector<16xi32>
        %parallel_loop3A_186 = arith.constant 16 : i32
        %parallel_loop3A_187 = arith.muli %parallel_loop3A_178, %parallel_loop3A_186 : i32
        %parallel_loop3A_188 = vector.broadcast %parallel_loop3A_187 : i32 to vector<16xi32>
        %parallel_loop3A_189 = arith.addi %parallel_loop3A_188, %iota3A : vector<16xi32>
        %parallel_loop3A_190 = vector.broadcast %select_n3A_100 : i32 to vector<16xi32>
        %parallel_loop3A_191 = arith.cmpi sgt, %parallel_loop3A_182, %parallel_loop3A_190 : vector<16xi32>
        %parallel_loop3A_192 = vector.broadcast %select_n3A_100 : i32 to vector<16xi32>
        %parallel_loop3A_193 = arith.cmpi eq, %parallel_loop3A_182, %parallel_loop3A_192 : vector<16xi32>
        %parallel_loop3A_194 = vector.broadcast %select_n3A_174 : i32 to vector<16xi32>
        %parallel_loop3A_195 = arith.cmpi slt, %parallel_loop3A_189, %parallel_loop3A_194 : vector<16xi32>
        %parallel_loop3A_196 = arith.andi %parallel_loop3A_193, %parallel_loop3A_195 : vector<16xi1>
        %parallel_loop3A_197 = arith.ori %parallel_loop3A_191, %parallel_loop3A_196 : vector<16xi1>
        %parallel_loop3A_198 = arith.constant 0 : i32
        %parallel_loop3A_199 = arith.constant -1 : i32
        %parallel_loop3A_200 = vector.broadcast %parallel_loop3A_198 : i32 to vector<16xi32>
        %parallel_loop3A_201 = vector.broadcast %parallel_loop3A_199 : i32 to vector<16xi32>
        %parallel_loop3A_202 = arith.select %parallel_loop3A_197, %parallel_loop3A_200, %parallel_loop3A_201 : vector<16xi1>, vector<16xi32>
        %parallel_loop3A_203 = arith.constant 1 : i32
        %parallel_loop3A_204 = vector.broadcast %parallel_loop3A_203 : i32 to vector<16xi32>
        %parallel_loop3A_205 = arith.select %parallel_loop3A_185, %parallel_loop3A_204, %parallel_loop3A_202 : vector<16xi1>, vector<16xi32>
        %parallel_loop3A_206 = arith.constant 16 : i32
        %parallel_loop3A_207 = arith.muli %parallel_loop3A_178, %parallel_loop3A_206 : i32
        %parallel_loop3A_208 = arith.index_cast %parallel_loop3A_207 : i32 to index
        %parallel_loop3A_209 = tpu.vector_load %arg8[%parallel_loop3A_208] {strides = array<i32>} : memref<20480xi32, #tpu.memory_space<vmem>>, vector<16xi32>,
        tpu.vector_store %arg8[%parallel_loop3A_208], %parallel_loop3A_205 {strides = array<i32>} : memref<20480xi32, #tpu.memory_space<vmem>>, vector<16xi32>,
        %parallel_loop3A_210 = arith.constant 1.000000e+00 : f32
        %parallel_loop3A_211 = arith.constant 0.000000e+00 : f32
        %parallel_loop3A_212 = vector.broadcast %parallel_loop3A_210 : f32 to vector<16xf32>
        %parallel_loop3A_213 = vector.broadcast %parallel_loop3A_211 : f32 to vector<16xf32>
        %parallel_loop3A_214 = arith.select %parallel_loop3A_185, %parallel_loop3A_212, %parallel_loop3A_213 : vector<16xi1>, vector<16xf32>
        %parallel_loop3A_215 = arith.constant 16 : i32
        %parallel_loop3A_216 = arith.muli %parallel_loop3A_178, %parallel_loop3A_215 : i32
        %parallel_loop3A_217 = arith.index_cast %parallel_loop3A_216 : i32 to index
        %parallel_loop3A_218 = tpu.vector_load %arg9[%parallel_loop3A_217] {strides = array<i32>} : memref<20480xf32, #tpu.memory_space<vmem>>, vector<16xf32>,
        tpu.vector_store %arg9[%parallel_loop3A_217], %parallel_loop3A_214 {strides = array<i32>} : memref<20480xf32, #tpu.memory_space<vmem>>, vector<16xf32>,
        %parallel_loop3A_219 = arith.ori %parallel_loop3A_185, %parallel_loop3A_197 : vector<16xi1>
        %parallel_loop3A_220 = arith.constant 0.000000e+00 : f32
        %parallel_loop3A_221 = vector.broadcast %parallel_loop3A_220 : f32 to vector<16xf32>
        %parallel_loop3A_222 = arith.select %parallel_loop3A_219, %mul3A_132, %parallel_loop3A_221 : vector<16xi1>, vector<16xf32>
        %parallel_loop3A_223 = arith.constant 16 : i32
        %parallel_loop3A_224 = arith.muli %parallel_loop3A_178, %parallel_loop3A_223 : i32
        %parallel_loop3A_225 = arith.index_cast %parallel_loop3A_224 : i32 to index
        %parallel_loop3A_226 = tpu.vector_load %arg10[%parallel_loop3A_225] {strides = array<i32>} : memref<20480xf32, #tpu.memory_space<vmem>>, vector<16xf32>,
        tpu.vector_store %arg10[%parallel_loop3A_225], %parallel_loop3A_222 {strides = array<i32>} : memref<20480xf32, #tpu.memory_space<vmem>>, vector<16xf32>,
      } {sc.loop_unroll_factor = 8 : i64, sc.parallel_access}
      "tpu.region"() ({
        %run_scoped3A = tpu.sem_alloc : memref<!tpu.dma_semaphore, #tpu.memory_space<semaphore_mem>>
        %dma_start3A = arith.constant 0 : i32
        %dma_start3A_178 = tpu.memref_slice %arg3[%add3A, %dma_start3A] : memref<8x20480xi32, #tpu.memory_space<hbm>> -> memref<1x20480xi32, #tpu.memory_space<hbm>>
        %dma_start3A_179 = tpu.memref_squeeze %dma_start3A_178 : memref<1x20480xi32, #tpu.memory_space<hbm>> -> memref<20480xi32, #tpu.memory_space<hbm>>
        %dma_start3A_180 = arith.constant 0 : i32
        %dma_start3A_181 = tpu.memref_slice %arg3[%add3A, %dma_start3A_180] : memref<8x20480xi32, #tpu.memory_space<hbm>> -> memref<1x20480xi32, #tpu.memory_space<hbm>>
        %dma_start3A_182 = tpu.memref_squeeze %dma_start3A_181 : memref<1x20480xi32, #tpu.memory_space<hbm>> -> memref<20480xi32, #tpu.memory_space<hbm>>
        tpu.enqueue_dma source(%arg8 : memref<20480xi32, #tpu.memory_space<vmem>>) target(%dma_start3A_182 : memref<20480xi32, #tpu.memory_space<hbm>>) target_semaphore(%run_scoped3A : memref<!tpu.dma_semaphore, #tpu.memory_space<semaphore_mem>>)
        %dma_wait3A = arith.constant 0 : i32
        %dma_wait3A_183 = tpu.memref_slice %arg3[%add3A, %dma_wait3A] : memref<8x20480xi32, #tpu.memory_space<hbm>> -> memref<1x20480xi32, #tpu.memory_space<hbm>>
        %dma_wait3A_184 = tpu.memref_squeeze %dma_wait3A_183 : memref<1x20480xi32, #tpu.memory_space<hbm>> -> memref<20480xi32, #tpu.memory_space<hbm>>
        %dma_wait3A_185 = arith.constant 0 : i32
        %dma_wait3A_186 = tpu.memref_slice %arg3[%add3A, %dma_wait3A_185] : memref<8x20480xi32, #tpu.memory_space<hbm>> -> memref<1x20480xi32, #tpu.memory_space<hbm>>
        %dma_wait3A_187 = tpu.memref_squeeze %dma_wait3A_186 : memref<1x20480xi32, #tpu.memory_space<hbm>> -> memref<20480xi32, #tpu.memory_space<hbm>>
        tpu.wait_dma2 semaphore(%run_scoped3A : memref<!tpu.dma_semaphore, #tpu.memory_space<semaphore_mem>>) src(%arg8 : memref<20480xi32, #tpu.memory_space<vmem>>) dst(%dma_wait3A_187 : memref<20480xi32, #tpu.memory_space<hbm>>)
        tpu.yield
      }) : () -> ()
      "tpu.region"() ({
        %run_scoped3A = tpu.sem_alloc : memref<!tpu.dma_semaphore, #tpu.memory_space<semaphore_mem>>
        %dma_start3A = arith.constant 0 : i32
        %dma_start3A_178 = tpu.memref_slice %arg4[%add3A, %dma_start3A] : memref<8x20480xf32, #tpu.memory_space<hbm>> -> memref<1x20480xf32, #tpu.memory_space<hbm>>
        %dma_start3A_179 = tpu.memref_squeeze %dma_start3A_178 : memref<1x20480xf32, #tpu.memory_space<hbm>> -> memref<20480xf32, #tpu.memory_space<hbm>>
        %dma_start3A_180 = arith.constant 0 : i32
        %dma_start3A_181 = tpu.memref_slice %arg4[%add3A, %dma_start3A_180] : memref<8x20480xf32, #tpu.memory_space<hbm>> -> memref<1x20480xf32, #tpu.memory_space<hbm>>
        %dma_start3A_182 = tpu.memref_squeeze %dma_start3A_181 : memref<1x20480xf32, #tpu.memory_space<hbm>> -> memref<20480xf32, #tpu.memory_space<hbm>>
        tpu.enqueue_dma source(%arg9 : memref<20480xf32, #tpu.memory_space<vmem>>) target(%dma_start3A_182 : memref<20480xf32, #tpu.memory_space<hbm>>) target_semaphore(%run_scoped3A : memref<!tpu.dma_semaphore, #tpu.memory_space<semaphore_mem>>)
        %dma_wait3A = arith.constant 0 : i32
        %dma_wait3A_183 = tpu.memref_slice %arg4[%add3A, %dma_wait3A] : memref<8x20480xf32, #tpu.memory_space<hbm>> -> memref<1x20480xf32, #tpu.memory_space<hbm>>
        %dma_wait3A_184 = tpu.memref_squeeze %dma_wait3A_183 : memref<1x20480xf32, #tpu.memory_space<hbm>> -> memref<20480xf32, #tpu.memory_space<hbm>>
        %dma_wait3A_185 = arith.constant 0 : i32
        %dma_wait3A_186 = tpu.memref_slice %arg4[%add3A, %dma_wait3A_185] : memref<8x20480xf32, #tpu.memory_space<hbm>> -> memref<1x20480xf32, #tpu.memory_space<hbm>>
        %dma_wait3A_187 = tpu.memref_squeeze %dma_wait3A_186 : memref<1x20480xf32, #tpu.memory_space<hbm>> -> memref<20480xf32, #tpu.memory_space<hbm>>
        tpu.wait_dma2 semaphore(%run_scoped3A : memref<!tpu.dma_semaphore, #tpu.memory_space<semaphore_mem>>) src(%arg9 : memref<20480xf32, #tpu.memory_space<vmem>>) dst(%dma_wait3A_187 : memref<20480xf32, #tpu.memory_space<hbm>>)
        tpu.yield
      }) : () -> ()
      "tpu.region"() ({
        %run_scoped3A = tpu.sem_alloc : memref<!tpu.dma_semaphore, #tpu.memory_space<semaphore_mem>>
        %dma_start3A = arith.constant 0 : i32
        %dma_start3A_178 = tpu.memref_slice %arg5[%add3A, %dma_start3A] : memref<8x20480xf32, #tpu.memory_space<hbm>> -> memref<1x20480xf32, #tpu.memory_space<hbm>>
        %dma_start3A_179 = tpu.memref_squeeze %dma_start3A_178 : memref<1x20480xf32, #tpu.memory_space<hbm>> -> memref<20480xf32, #tpu.memory_space<hbm>>
        %dma_start3A_180 = arith.constant 0 : i32
        %dma_start3A_181 = tpu.memref_slice %arg5[%add3A, %dma_start3A_180] : memref<8x20480xf32, #tpu.memory_space<hbm>> -> memref<1x20480xf32, #tpu.memory_space<hbm>>
        %dma_start3A_182 = tpu.memref_squeeze %dma_start3A_181 : memref<1x20480xf32, #tpu.memory_space<hbm>> -> memref<20480xf32, #tpu.memory_space<hbm>>
        tpu.enqueue_dma source(%arg10 : memref<20480xf32, #tpu.memory_space<vmem>>) target(%dma_start3A_182 : memref<20480xf32, #tpu.memory_space<hbm>>) target_semaphore(%run_scoped3A : memref<!tpu.dma_semaphore, #tpu.memory_space<semaphore_mem>>)
        %dma_wait3A = arith.constant 0 : i32
        %dma_wait3A_183 = tpu.memref_slice %arg5[%add3A, %dma_wait3A] : memref<8x20480xf32, #tpu.memory_space<hbm>> -> memref<1x20480xf32, #tpu.memory_space<hbm>>
        %dma_wait3A_184 = tpu.memref_squeeze %dma_wait3A_183 : memref<1x20480xf32, #tpu.memory_space<hbm>> -> memref<20480xf32, #tpu.memory_space<hbm>>
        %dma_wait3A_185 = arith.constant 0 : i32
        %dma_wait3A_186 = tpu.memref_slice %arg5[%add3A, %dma_wait3A_185] : memref<8x20480xf32, #tpu.memory_space<hbm>> -> memref<1x20480xf32, #tpu.memory_space<hbm>>
        %dma_wait3A_187 = tpu.memref_squeeze %dma_wait3A_186 : memref<1x20480xf32, #tpu.memory_space<hbm>> -> memref<20480xf32, #tpu.memory_space<hbm>>
        tpu.wait_dma2 semaphore(%run_scoped3A : memref<!tpu.dma_semaphore, #tpu.memory_space<semaphore_mem>>) src(%arg10 : memref<20480xf32, #tpu.memory_space<vmem>>) dst(%dma_wait3A_187 : memref<20480xf32, #tpu.memory_space<hbm>>)
        tpu.yield
      }) : () -> ()
    } else {
    }
    return
  }
}

module attributes {stable_mosaic.version = 14 : i64} {
  func.func @_match_body(%arg0: i32, %arg1: i32, %arg2: memref<1x32x128xf32, #tpu.memory_space<vmem>>, %arg3: memref<1x32x128xf32, #tpu.memory_space<vmem>>, %arg4: memref<1x32x128xf32, #tpu.memory_space<vmem>>, %arg5: memref<1x32x128xf32, #tpu.memory_space<vmem>>, %arg6: memref<1x100x8xf32, #tpu.memory_space<smem>>, %arg7: memref<1x5x32x128xf32, #tpu.memory_space<vmem>>, %arg8: memref<1x32x128xi32, #tpu.memory_space<vmem>>) attributes {dimension_semantics = [#tpu.dimension_semantics<arbitrary>, #tpu.dimension_semantics<arbitrary>], iteration_bounds = array<i64: 8, 5>, scalar_prefetch = 0 : i64, scratch_operands = 0 : i64, tpu.core_type = #tpu.core_type<tc>, window_params = [{transform_indices = @transform_0, window_bounds = array<i64: 1, 32, 128>}, {transform_indices = @transform_1, window_bounds = array<i64: 1, 32, 128>}, {transform_indices = @transform_2, window_bounds = array<i64: 1, 32, 128>}, {transform_indices = @transform_3, window_bounds = array<i64: 1, 32, 128>}, {transform_indices = @transform_4, window_bounds = array<i64: 1, 100, 8>}, {transform_indices = @transform_5, window_bounds = array<i64: 1, 5, 32, 128>}, {transform_indices = @transform_6, window_bounds = array<i64: 1, 32, 128>}]} {
    %mul3A = arith.constant 32 : i32
    %mul3A_0 = arith.muli %arg1, %mul3A : i32
    %mul3A_1 = arith.constant 128 : i32
    %mul3A_2 = arith.muli %mul3A_0, %mul3A_1 : i32
    %iota3A = tpu.iota {dimensions = array<i32: 0>} : vector<32x128xi32>
    %mul3A_3 = arith.constant 128 : i32
    %mul3A_4 = vector.broadcast %mul3A_3 : i32 to vector<32x128xi32>
    %mul3A_5 = arith.muli %iota3A, %mul3A_4 : vector<32x128xi32>
    %add3A = vector.broadcast %mul3A_2 : i32 to vector<32x128xi32>
    %add3A_6 = arith.addi %add3A, %mul3A_5 : vector<32x128xi32>
    %iota3A_7 = tpu.iota {dimensions = array<i32: 1>} : vector<32x128xi32>
    %add3A_8 = arith.addi %add3A_6, %iota3A_7 : vector<32x128xi32>
    %jit3A = arith.constant 6 : i32
    %eq3A = arith.constant 0 : i32
    %eq3A_9 = arith.cmpi eq, %jit3A, %eq3A : i32
    %jit3A_10 = arith.constant 1 : i32
    %select_n3A = arith.select %eq3A_9, %jit3A_10, %jit3A : i32
    %rem3A = vector.broadcast %select_n3A : i32 to vector<32x128xi32>
    %rem3A_11 = arith.remsi %add3A_8, %rem3A : vector<32x128xi32>
    %ne3A = arith.constant 0 : i32
    %ne3A_12 = vector.broadcast %ne3A : i32 to vector<32x128xi32>
    %ne3A_13 = arith.cmpi ne, %rem3A_11, %ne3A_12 : vector<32x128xi32>
    %lt3A = arith.constant 0 : i32
    %lt3A_14 = vector.broadcast %lt3A : i32 to vector<32x128xi32>
    %lt3A_15 = arith.cmpi slt, %rem3A_11, %lt3A_14 : vector<32x128xi32>
    %lt3A_16 = arith.constant 0 : i32
    %lt3A_17 = arith.cmpi slt, %select_n3A, %lt3A_16 : i32
    %ne3A_18 = vector.broadcast %lt3A_17 : i1 to vector<32x128xi1>
    %ne3A_19 = vector.broadcast %ne3A_18 : vector<32x128xi1> to vector<32x128xi1>
    %ne3A_20 = arith.xori %lt3A_15, %ne3A_19 : vector<32x128xi1>
    %and3A = arith.andi %ne3A_20, %ne3A_13 : vector<32x128xi1>
    %add3A_21 = vector.broadcast %select_n3A : i32 to vector<32x128xi32>
    %add3A_22 = arith.addi %rem3A_11, %add3A_21 : vector<32x128xi32>
    %select_n3A_23 = arith.select %and3A, %add3A_22, %rem3A_11 : vector<32x128xi1>, vector<32x128xi32>
    %convert_element_type3A = arith.sitofp %select_n3A_23 : vector<32x128xi32> to vector<32x128xf32>
    %mul3A_24 = arith.constant 3.000000e+01 : f32
    %mul3A_25 = vector.broadcast %mul3A_24 : f32 to vector<32x128xf32>
    %mul3A_26 = arith.mulf %mul3A_25, %convert_element_type3A : vector<32x128xf32>
    %add3A_27 = arith.constant -7.500000e+01 : f32
    %add3A_28 = vector.broadcast %add3A_27 : f32 to vector<32x128xf32>
    %add3A_29 = arith.addf %add3A_28, %mul3A_26 : vector<32x128xf32>
    %get3A = arith.constant 0 : index
    %get3A_30 = arith.constant 0 : index
    %get3A_31 = arith.constant 0 : index
    %get3A_32 = vector.load %arg4[%get3A, %get3A_30, %get3A_31] : memref<1x32x128xf32, #tpu.memory_space<vmem>>, vector<1x32x128xf32>
    %get3A_33 = vector.shape_cast %get3A_32 : vector<1x32x128xf32> to vector<32x128xf32>
    %get3A_34 = arith.constant 0 : index
    %get3A_35 = arith.constant 0 : index
    %get3A_36 = arith.constant 0 : index
    %get3A_37 = vector.load %arg5[%get3A_34, %get3A_35, %get3A_36] : memref<1x32x128xf32, #tpu.memory_space<vmem>>, vector<1x32x128xf32>
    %get3A_38 = vector.shape_cast %get3A_37 : vector<1x32x128xf32> to vector<32x128xf32>
    %broadcast_in_dim3A = arith.constant 0.000000e+00 : f32
    %broadcast_in_dim3A_39 = vector.broadcast %broadcast_in_dim3A : f32 to vector<32x128xf32>
    %scan3A = arith.constant 0 : i32
    %scan3A_40 = arith.constant 100 : i32
    %scan3A_41 = arith.addi %scan3A, %scan3A_40 : i32
    %scan3A_42 = arith.constant 4 : i32
    %scan3A_43:6 = scf.for %scan3A_180 = %scan3A to %scan3A_41 step %scan3A_42 iter_args(%scan3A_181 = %broadcast_in_dim3A_39, %scan3A_182 = %broadcast_in_dim3A_39, %scan3A_183 = %broadcast_in_dim3A_39, %scan3A_184 = %broadcast_in_dim3A_39, %scan3A_185 = %broadcast_in_dim3A_39, %scan3A_186 = %broadcast_in_dim3A_39) -> (vector<32x128xf32>, vector<32x128xf32>, vector<32x128xf32>, vector<32x128xf32>, vector<32x128xf32>, vector<32x128xf32>)  : i32 {
      %get3A_187 = arith.constant 0 : index
      %get3A_188 = arith.index_cast %scan3A_180 : i32 to index
      %get3A_189 = arith.constant 0 : index
      %get3A_190 = memref.load %arg6[%get3A_187, %get3A_188, %get3A_189] : memref<1x100x8xf32, #tpu.memory_space<smem>>
      %get3A_191 = arith.constant 0 : index
      %get3A_192 = arith.index_cast %scan3A_180 : i32 to index
      %get3A_193 = arith.constant 1 : index
      %get3A_194 = memref.load %arg6[%get3A_191, %get3A_192, %get3A_193] : memref<1x100x8xf32, #tpu.memory_space<smem>>
      %get3A_195 = arith.constant 0 : index
      %get3A_196 = arith.index_cast %scan3A_180 : i32 to index
      %get3A_197 = arith.constant 2 : index
      %get3A_198 = memref.load %arg6[%get3A_195, %get3A_196, %get3A_197] : memref<1x100x8xf32, #tpu.memory_space<smem>>
      %sub3A_199 = vector.broadcast %get3A_190 : f32 to vector<32x128xf32>
      %sub3A_200 = arith.subf %get3A_33, %sub3A_199 : vector<32x128xf32>
      %abs3A = math.absf %sub3A_200 : vector<32x128xf32>
      %le3A = arith.constant 1.600000e+01 : f32
      %le3A_201 = vector.broadcast %le3A : f32 to vector<32x128xf32>
      %le3A_202 = arith.cmpf ole, %abs3A, %le3A_201 : vector<32x128xf32>
      %sub3A_203 = vector.broadcast %get3A_194 : f32 to vector<32x128xf32>
      %sub3A_204 = arith.subf %get3A_38, %sub3A_203 : vector<32x128xf32>
      %abs3A_205 = math.absf %sub3A_204 : vector<32x128xf32>
      %le3A_206 = arith.constant 1.600000e+01 : f32
      %le3A_207 = vector.broadcast %le3A_206 : f32 to vector<32x128xf32>
      %le3A_208 = arith.cmpf ole, %abs3A_205, %le3A_207 : vector<32x128xf32>
      %and3A_209 = arith.andi %le3A_202, %le3A_208 : vector<32x128xi1>
      %sub3A_210 = vector.broadcast %get3A_198 : f32 to vector<32x128xf32>
      %sub3A_211 = arith.subf %add3A_29, %sub3A_210 : vector<32x128xf32>
      %abs3A_212 = math.absf %sub3A_211 : vector<32x128xf32>
      %le3A_213 = arith.constant 1.500000e+01 : f32
      %le3A_214 = vector.broadcast %le3A_213 : f32 to vector<32x128xf32>
      %le3A_215 = arith.cmpf ole, %abs3A_212, %le3A_214 : vector<32x128xf32>
      %and3A_216 = arith.andi %and3A_209, %le3A_215 : vector<32x128xi1>
      %convert_element_type3A_217 = arith.extui %and3A_216 : vector<32x128xi1> to vector<32x128xi32>
      %convert_element_type3A_218 = arith.sitofp %convert_element_type3A_217 : vector<32x128xi32> to vector<32x128xf32>
      %get3A_219 = arith.constant 0 : index
      %get3A_220 = arith.index_cast %scan3A_180 : i32 to index
      %get3A_221 = arith.constant 3 : index
      %get3A_222 = memref.load %arg6[%get3A_219, %get3A_220, %get3A_221] : memref<1x100x8xf32, #tpu.memory_space<smem>>
      %get3A_223 = arith.constant 0 : index
      %get3A_224 = arith.index_cast %scan3A_180 : i32 to index
      %get3A_225 = arith.constant 4 : index
      %get3A_226 = memref.load %arg6[%get3A_223, %get3A_224, %get3A_225] : memref<1x100x8xf32, #tpu.memory_space<smem>>
      %get3A_227 = arith.constant 0 : index
      %get3A_228 = arith.index_cast %scan3A_180 : i32 to index
      %get3A_229 = arith.constant 5 : index
      %get3A_230 = memref.load %arg6[%get3A_227, %get3A_228, %get3A_229] : memref<1x100x8xf32, #tpu.memory_space<smem>>
      %get3A_231 = arith.constant 0 : index
      %get3A_232 = arith.index_cast %scan3A_180 : i32 to index
      %get3A_233 = arith.constant 6 : index
      %get3A_234 = memref.load %arg6[%get3A_231, %get3A_232, %get3A_233] : memref<1x100x8xf32, #tpu.memory_space<smem>>
      %get3A_235 = arith.constant 0 : index
      %get3A_236 = arith.index_cast %scan3A_180 : i32 to index
      %get3A_237 = arith.constant 7 : index
      %get3A_238 = memref.load %arg6[%get3A_235, %get3A_236, %get3A_237] : memref<1x100x8xf32, #tpu.memory_space<smem>>
      %add3A_239 = arith.addf %scan3A_181, %convert_element_type3A_218 : vector<32x128xf32>
      %mul3A_240 = vector.broadcast %get3A_222 : f32 to vector<32x128xf32>
      %mul3A_241 = arith.mulf %convert_element_type3A_218, %mul3A_240 : vector<32x128xf32>
      %add3A_242 = arith.addf %scan3A_182, %mul3A_241 : vector<32x128xf32>
      %mul3A_243 = vector.broadcast %get3A_226 : f32 to vector<32x128xf32>
      %mul3A_244 = arith.mulf %convert_element_type3A_218, %mul3A_243 : vector<32x128xf32>
      %add3A_245 = arith.addf %scan3A_183, %mul3A_244 : vector<32x128xf32>
      %mul3A_246 = vector.broadcast %get3A_230 : f32 to vector<32x128xf32>
      %mul3A_247 = arith.mulf %convert_element_type3A_218, %mul3A_246 : vector<32x128xf32>
      %add3A_248 = arith.addf %scan3A_184, %mul3A_247 : vector<32x128xf32>
      %mul3A_249 = vector.broadcast %get3A_234 : f32 to vector<32x128xf32>
      %mul3A_250 = arith.mulf %convert_element_type3A_218, %mul3A_249 : vector<32x128xf32>
      %add3A_251 = arith.addf %scan3A_185, %mul3A_250 : vector<32x128xf32>
      %mul3A_252 = vector.broadcast %get3A_238 : f32 to vector<32x128xf32>
      %mul3A_253 = arith.mulf %convert_element_type3A_218, %mul3A_252 : vector<32x128xf32>
      %add3A_254 = arith.addf %scan3A_186, %mul3A_253 : vector<32x128xf32>
      %scan3A_255 = arith.constant 1 : i32
      %scan3A_256 = arith.addi %scan3A_180, %scan3A_255 : i32
      %get3A_257 = arith.constant 0 : index
      %get3A_258 = arith.index_cast %scan3A_256 : i32 to index
      %get3A_259 = arith.constant 0 : index
      %get3A_260 = memref.load %arg6[%get3A_257, %get3A_258, %get3A_259] : memref<1x100x8xf32, #tpu.memory_space<smem>>
      %get3A_261 = arith.constant 0 : index
      %get3A_262 = arith.index_cast %scan3A_256 : i32 to index
      %get3A_263 = arith.constant 1 : index
      %get3A_264 = memref.load %arg6[%get3A_261, %get3A_262, %get3A_263] : memref<1x100x8xf32, #tpu.memory_space<smem>>
      %get3A_265 = arith.constant 0 : index
      %get3A_266 = arith.index_cast %scan3A_256 : i32 to index
      %get3A_267 = arith.constant 2 : index
      %get3A_268 = memref.load %arg6[%get3A_265, %get3A_266, %get3A_267] : memref<1x100x8xf32, #tpu.memory_space<smem>>
      %sub3A_269 = vector.broadcast %get3A_260 : f32 to vector<32x128xf32>
      %sub3A_270 = arith.subf %get3A_33, %sub3A_269 : vector<32x128xf32>
      %abs3A_271 = math.absf %sub3A_270 : vector<32x128xf32>
      %le3A_272 = arith.constant 1.600000e+01 : f32
      %le3A_273 = vector.broadcast %le3A_272 : f32 to vector<32x128xf32>
      %le3A_274 = arith.cmpf ole, %abs3A_271, %le3A_273 : vector<32x128xf32>
      %sub3A_275 = vector.broadcast %get3A_264 : f32 to vector<32x128xf32>
      %sub3A_276 = arith.subf %get3A_38, %sub3A_275 : vector<32x128xf32>
      %abs3A_277 = math.absf %sub3A_276 : vector<32x128xf32>
      %le3A_278 = arith.constant 1.600000e+01 : f32
      %le3A_279 = vector.broadcast %le3A_278 : f32 to vector<32x128xf32>
      %le3A_280 = arith.cmpf ole, %abs3A_277, %le3A_279 : vector<32x128xf32>
      %and3A_281 = arith.andi %le3A_274, %le3A_280 : vector<32x128xi1>
      %sub3A_282 = vector.broadcast %get3A_268 : f32 to vector<32x128xf32>
      %sub3A_283 = arith.subf %add3A_29, %sub3A_282 : vector<32x128xf32>
      %abs3A_284 = math.absf %sub3A_283 : vector<32x128xf32>
      %le3A_285 = arith.constant 1.500000e+01 : f32
      %le3A_286 = vector.broadcast %le3A_285 : f32 to vector<32x128xf32>
      %le3A_287 = arith.cmpf ole, %abs3A_284, %le3A_286 : vector<32x128xf32>
      %and3A_288 = arith.andi %and3A_281, %le3A_287 : vector<32x128xi1>
      %convert_element_type3A_289 = arith.extui %and3A_288 : vector<32x128xi1> to vector<32x128xi32>
      %convert_element_type3A_290 = arith.sitofp %convert_element_type3A_289 : vector<32x128xi32> to vector<32x128xf32>
      %get3A_291 = arith.constant 0 : index
      %get3A_292 = arith.index_cast %scan3A_256 : i32 to index
      %get3A_293 = arith.constant 3 : index
      %get3A_294 = memref.load %arg6[%get3A_291, %get3A_292, %get3A_293] : memref<1x100x8xf32, #tpu.memory_space<smem>>
      %get3A_295 = arith.constant 0 : index
      %get3A_296 = arith.index_cast %scan3A_256 : i32 to index
      %get3A_297 = arith.constant 4 : index
      %get3A_298 = memref.load %arg6[%get3A_295, %get3A_296, %get3A_297] : memref<1x100x8xf32, #tpu.memory_space<smem>>
      %get3A_299 = arith.constant 0 : index
      %get3A_300 = arith.index_cast %scan3A_256 : i32 to index
      %get3A_301 = arith.constant 5 : index
      %get3A_302 = memref.load %arg6[%get3A_299, %get3A_300, %get3A_301] : memref<1x100x8xf32, #tpu.memory_space<smem>>
      %get3A_303 = arith.constant 0 : index
      %get3A_304 = arith.index_cast %scan3A_256 : i32 to index
      %get3A_305 = arith.constant 6 : index
      %get3A_306 = memref.load %arg6[%get3A_303, %get3A_304, %get3A_305] : memref<1x100x8xf32, #tpu.memory_space<smem>>
      %get3A_307 = arith.constant 0 : index
      %get3A_308 = arith.index_cast %scan3A_256 : i32 to index
      %get3A_309 = arith.constant 7 : index
      %get3A_310 = memref.load %arg6[%get3A_307, %get3A_308, %get3A_309] : memref<1x100x8xf32, #tpu.memory_space<smem>>
      %add3A_311 = arith.addf %add3A_239, %convert_element_type3A_290 : vector<32x128xf32>
      %mul3A_312 = vector.broadcast %get3A_294 : f32 to vector<32x128xf32>
      %mul3A_313 = arith.mulf %convert_element_type3A_290, %mul3A_312 : vector<32x128xf32>
      %add3A_314 = arith.addf %add3A_242, %mul3A_313 : vector<32x128xf32>
      %mul3A_315 = vector.broadcast %get3A_298 : f32 to vector<32x128xf32>
      %mul3A_316 = arith.mulf %convert_element_type3A_290, %mul3A_315 : vector<32x128xf32>
      %add3A_317 = arith.addf %add3A_245, %mul3A_316 : vector<32x128xf32>
      %mul3A_318 = vector.broadcast %get3A_302 : f32 to vector<32x128xf32>
      %mul3A_319 = arith.mulf %convert_element_type3A_290, %mul3A_318 : vector<32x128xf32>
      %add3A_320 = arith.addf %add3A_248, %mul3A_319 : vector<32x128xf32>
      %mul3A_321 = vector.broadcast %get3A_306 : f32 to vector<32x128xf32>
      %mul3A_322 = arith.mulf %convert_element_type3A_290, %mul3A_321 : vector<32x128xf32>
      %add3A_323 = arith.addf %add3A_251, %mul3A_322 : vector<32x128xf32>
      %mul3A_324 = vector.broadcast %get3A_310 : f32 to vector<32x128xf32>
      %mul3A_325 = arith.mulf %convert_element_type3A_290, %mul3A_324 : vector<32x128xf32>
      %add3A_326 = arith.addf %add3A_254, %mul3A_325 : vector<32x128xf32>
      %scan3A_327 = arith.constant 2 : i32
      %scan3A_328 = arith.addi %scan3A_180, %scan3A_327 : i32
      %get3A_329 = arith.constant 0 : index
      %get3A_330 = arith.index_cast %scan3A_328 : i32 to index
      %get3A_331 = arith.constant 0 : index
      %get3A_332 = memref.load %arg6[%get3A_329, %get3A_330, %get3A_331] : memref<1x100x8xf32, #tpu.memory_space<smem>>
      %get3A_333 = arith.constant 0 : index
      %get3A_334 = arith.index_cast %scan3A_328 : i32 to index
      %get3A_335 = arith.constant 1 : index
      %get3A_336 = memref.load %arg6[%get3A_333, %get3A_334, %get3A_335] : memref<1x100x8xf32, #tpu.memory_space<smem>>
      %get3A_337 = arith.constant 0 : index
      %get3A_338 = arith.index_cast %scan3A_328 : i32 to index
      %get3A_339 = arith.constant 2 : index
      %get3A_340 = memref.load %arg6[%get3A_337, %get3A_338, %get3A_339] : memref<1x100x8xf32, #tpu.memory_space<smem>>
      %sub3A_341 = vector.broadcast %get3A_332 : f32 to vector<32x128xf32>
      %sub3A_342 = arith.subf %get3A_33, %sub3A_341 : vector<32x128xf32>
      %abs3A_343 = math.absf %sub3A_342 : vector<32x128xf32>
      %le3A_344 = arith.constant 1.600000e+01 : f32
      %le3A_345 = vector.broadcast %le3A_344 : f32 to vector<32x128xf32>
      %le3A_346 = arith.cmpf ole, %abs3A_343, %le3A_345 : vector<32x128xf32>
      %sub3A_347 = vector.broadcast %get3A_336 : f32 to vector<32x128xf32>
      %sub3A_348 = arith.subf %get3A_38, %sub3A_347 : vector<32x128xf32>
      %abs3A_349 = math.absf %sub3A_348 : vector<32x128xf32>
      %le3A_350 = arith.constant 1.600000e+01 : f32
      %le3A_351 = vector.broadcast %le3A_350 : f32 to vector<32x128xf32>
      %le3A_352 = arith.cmpf ole, %abs3A_349, %le3A_351 : vector<32x128xf32>
      %and3A_353 = arith.andi %le3A_346, %le3A_352 : vector<32x128xi1>
      %sub3A_354 = vector.broadcast %get3A_340 : f32 to vector<32x128xf32>
      %sub3A_355 = arith.subf %add3A_29, %sub3A_354 : vector<32x128xf32>
      %abs3A_356 = math.absf %sub3A_355 : vector<32x128xf32>
      %le3A_357 = arith.constant 1.500000e+01 : f32
      %le3A_358 = vector.broadcast %le3A_357 : f32 to vector<32x128xf32>
      %le3A_359 = arith.cmpf ole, %abs3A_356, %le3A_358 : vector<32x128xf32>
      %and3A_360 = arith.andi %and3A_353, %le3A_359 : vector<32x128xi1>
      %convert_element_type3A_361 = arith.extui %and3A_360 : vector<32x128xi1> to vector<32x128xi32>
      %convert_element_type3A_362 = arith.sitofp %convert_element_type3A_361 : vector<32x128xi32> to vector<32x128xf32>
      %get3A_363 = arith.constant 0 : index
      %get3A_364 = arith.index_cast %scan3A_328 : i32 to index
      %get3A_365 = arith.constant 3 : index
      %get3A_366 = memref.load %arg6[%get3A_363, %get3A_364, %get3A_365] : memref<1x100x8xf32, #tpu.memory_space<smem>>
      %get3A_367 = arith.constant 0 : index
      %get3A_368 = arith.index_cast %scan3A_328 : i32 to index
      %get3A_369 = arith.constant 4 : index
      %get3A_370 = memref.load %arg6[%get3A_367, %get3A_368, %get3A_369] : memref<1x100x8xf32, #tpu.memory_space<smem>>
      %get3A_371 = arith.constant 0 : index
      %get3A_372 = arith.index_cast %scan3A_328 : i32 to index
      %get3A_373 = arith.constant 5 : index
      %get3A_374 = memref.load %arg6[%get3A_371, %get3A_372, %get3A_373] : memref<1x100x8xf32, #tpu.memory_space<smem>>
      %get3A_375 = arith.constant 0 : index
      %get3A_376 = arith.index_cast %scan3A_328 : i32 to index
      %get3A_377 = arith.constant 6 : index
      %get3A_378 = memref.load %arg6[%get3A_375, %get3A_376, %get3A_377] : memref<1x100x8xf32, #tpu.memory_space<smem>>
      %get3A_379 = arith.constant 0 : index
      %get3A_380 = arith.index_cast %scan3A_328 : i32 to index
      %get3A_381 = arith.constant 7 : index
      %get3A_382 = memref.load %arg6[%get3A_379, %get3A_380, %get3A_381] : memref<1x100x8xf32, #tpu.memory_space<smem>>
      %add3A_383 = arith.addf %add3A_311, %convert_element_type3A_362 : vector<32x128xf32>
      %mul3A_384 = vector.broadcast %get3A_366 : f32 to vector<32x128xf32>
      %mul3A_385 = arith.mulf %convert_element_type3A_362, %mul3A_384 : vector<32x128xf32>
      %add3A_386 = arith.addf %add3A_314, %mul3A_385 : vector<32x128xf32>
      %mul3A_387 = vector.broadcast %get3A_370 : f32 to vector<32x128xf32>
      %mul3A_388 = arith.mulf %convert_element_type3A_362, %mul3A_387 : vector<32x128xf32>
      %add3A_389 = arith.addf %add3A_317, %mul3A_388 : vector<32x128xf32>
      %mul3A_390 = vector.broadcast %get3A_374 : f32 to vector<32x128xf32>
      %mul3A_391 = arith.mulf %convert_element_type3A_362, %mul3A_390 : vector<32x128xf32>
      %add3A_392 = arith.addf %add3A_320, %mul3A_391 : vector<32x128xf32>
      %mul3A_393 = vector.broadcast %get3A_378 : f32 to vector<32x128xf32>
      %mul3A_394 = arith.mulf %convert_element_type3A_362, %mul3A_393 : vector<32x128xf32>
      %add3A_395 = arith.addf %add3A_323, %mul3A_394 : vector<32x128xf32>
      %mul3A_396 = vector.broadcast %get3A_382 : f32 to vector<32x128xf32>
      %mul3A_397 = arith.mulf %convert_element_type3A_362, %mul3A_396 : vector<32x128xf32>
      %add3A_398 = arith.addf %add3A_326, %mul3A_397 : vector<32x128xf32>
      %scan3A_399 = arith.constant 3 : i32
      %scan3A_400 = arith.addi %scan3A_180, %scan3A_399 : i32
      %get3A_401 = arith.constant 0 : index
      %get3A_402 = arith.index_cast %scan3A_400 : i32 to index
      %get3A_403 = arith.constant 0 : index
      %get3A_404 = memref.load %arg6[%get3A_401, %get3A_402, %get3A_403] : memref<1x100x8xf32, #tpu.memory_space<smem>>
      %get3A_405 = arith.constant 0 : index
      %get3A_406 = arith.index_cast %scan3A_400 : i32 to index
      %get3A_407 = arith.constant 1 : index
      %get3A_408 = memref.load %arg6[%get3A_405, %get3A_406, %get3A_407] : memref<1x100x8xf32, #tpu.memory_space<smem>>
      %get3A_409 = arith.constant 0 : index
      %get3A_410 = arith.index_cast %scan3A_400 : i32 to index
      %get3A_411 = arith.constant 2 : index
      %get3A_412 = memref.load %arg6[%get3A_409, %get3A_410, %get3A_411] : memref<1x100x8xf32, #tpu.memory_space<smem>>
      %sub3A_413 = vector.broadcast %get3A_404 : f32 to vector<32x128xf32>
      %sub3A_414 = arith.subf %get3A_33, %sub3A_413 : vector<32x128xf32>
      %abs3A_415 = math.absf %sub3A_414 : vector<32x128xf32>
      %le3A_416 = arith.constant 1.600000e+01 : f32
      %le3A_417 = vector.broadcast %le3A_416 : f32 to vector<32x128xf32>
      %le3A_418 = arith.cmpf ole, %abs3A_415, %le3A_417 : vector<32x128xf32>
      %sub3A_419 = vector.broadcast %get3A_408 : f32 to vector<32x128xf32>
      %sub3A_420 = arith.subf %get3A_38, %sub3A_419 : vector<32x128xf32>
      %abs3A_421 = math.absf %sub3A_420 : vector<32x128xf32>
      %le3A_422 = arith.constant 1.600000e+01 : f32
      %le3A_423 = vector.broadcast %le3A_422 : f32 to vector<32x128xf32>
      %le3A_424 = arith.cmpf ole, %abs3A_421, %le3A_423 : vector<32x128xf32>
      %and3A_425 = arith.andi %le3A_418, %le3A_424 : vector<32x128xi1>
      %sub3A_426 = vector.broadcast %get3A_412 : f32 to vector<32x128xf32>
      %sub3A_427 = arith.subf %add3A_29, %sub3A_426 : vector<32x128xf32>
      %abs3A_428 = math.absf %sub3A_427 : vector<32x128xf32>
      %le3A_429 = arith.constant 1.500000e+01 : f32
      %le3A_430 = vector.broadcast %le3A_429 : f32 to vector<32x128xf32>
      %le3A_431 = arith.cmpf ole, %abs3A_428, %le3A_430 : vector<32x128xf32>
      %and3A_432 = arith.andi %and3A_425, %le3A_431 : vector<32x128xi1>
      %convert_element_type3A_433 = arith.extui %and3A_432 : vector<32x128xi1> to vector<32x128xi32>
      %convert_element_type3A_434 = arith.sitofp %convert_element_type3A_433 : vector<32x128xi32> to vector<32x128xf32>
      %get3A_435 = arith.constant 0 : index
      %get3A_436 = arith.index_cast %scan3A_400 : i32 to index
      %get3A_437 = arith.constant 3 : index
      %get3A_438 = memref.load %arg6[%get3A_435, %get3A_436, %get3A_437] : memref<1x100x8xf32, #tpu.memory_space<smem>>
      %get3A_439 = arith.constant 0 : index
      %get3A_440 = arith.index_cast %scan3A_400 : i32 to index
      %get3A_441 = arith.constant 4 : index
      %get3A_442 = memref.load %arg6[%get3A_439, %get3A_440, %get3A_441] : memref<1x100x8xf32, #tpu.memory_space<smem>>
      %get3A_443 = arith.constant 0 : index
      %get3A_444 = arith.index_cast %scan3A_400 : i32 to index
      %get3A_445 = arith.constant 5 : index
      %get3A_446 = memref.load %arg6[%get3A_443, %get3A_444, %get3A_445] : memref<1x100x8xf32, #tpu.memory_space<smem>>
      %get3A_447 = arith.constant 0 : index
      %get3A_448 = arith.index_cast %scan3A_400 : i32 to index
      %get3A_449 = arith.constant 6 : index
      %get3A_450 = memref.load %arg6[%get3A_447, %get3A_448, %get3A_449] : memref<1x100x8xf32, #tpu.memory_space<smem>>
      %get3A_451 = arith.constant 0 : index
      %get3A_452 = arith.index_cast %scan3A_400 : i32 to index
      %get3A_453 = arith.constant 7 : index
      %get3A_454 = memref.load %arg6[%get3A_451, %get3A_452, %get3A_453] : memref<1x100x8xf32, #tpu.memory_space<smem>>
      %add3A_455 = arith.addf %add3A_383, %convert_element_type3A_434 : vector<32x128xf32>
      %mul3A_456 = vector.broadcast %get3A_438 : f32 to vector<32x128xf32>
      %mul3A_457 = arith.mulf %convert_element_type3A_434, %mul3A_456 : vector<32x128xf32>
      %add3A_458 = arith.addf %add3A_386, %mul3A_457 : vector<32x128xf32>
      %mul3A_459 = vector.broadcast %get3A_442 : f32 to vector<32x128xf32>
      %mul3A_460 = arith.mulf %convert_element_type3A_434, %mul3A_459 : vector<32x128xf32>
      %add3A_461 = arith.addf %add3A_389, %mul3A_460 : vector<32x128xf32>
      %mul3A_462 = vector.broadcast %get3A_446 : f32 to vector<32x128xf32>
      %mul3A_463 = arith.mulf %convert_element_type3A_434, %mul3A_462 : vector<32x128xf32>
      %add3A_464 = arith.addf %add3A_392, %mul3A_463 : vector<32x128xf32>
      %mul3A_465 = vector.broadcast %get3A_450 : f32 to vector<32x128xf32>
      %mul3A_466 = arith.mulf %convert_element_type3A_434, %mul3A_465 : vector<32x128xf32>
      %add3A_467 = arith.addf %add3A_395, %mul3A_466 : vector<32x128xf32>
      %mul3A_468 = vector.broadcast %get3A_454 : f32 to vector<32x128xf32>
      %mul3A_469 = arith.mulf %convert_element_type3A_434, %mul3A_468 : vector<32x128xf32>
      %add3A_470 = arith.addf %add3A_398, %mul3A_469 : vector<32x128xf32>
      scf.yield %add3A_455, %add3A_458, %add3A_461, %add3A_464, %add3A_467, %add3A_470 : vector<32x128xf32>, vector<32x128xf32>, vector<32x128xf32>, vector<32x128xf32>, vector<32x128xf32>, vector<32x128xf32>
    }
    %scan3A_44 = arith.constant 100 : i32
    %gt3A = arith.constant 0.000000e+00 : f32
    %gt3A_45 = vector.broadcast %gt3A : f32 to vector<32x128xf32>
    %gt3A_46 = arith.cmpf ogt, %scan3A_43#0, %gt3A_45 : vector<32x128xf32>
    %get3A_47 = arith.constant 0 : index
    %get3A_48 = arith.constant 0 : index
    %get3A_49 = arith.constant 0 : index
    %get3A_50 = vector.load %arg2[%get3A_47, %get3A_48, %get3A_49] : memref<1x32x128xf32, #tpu.memory_space<vmem>>, vector<1x32x128xf32>
    %get3A_51 = vector.shape_cast %get3A_50 : vector<1x32x128xf32> to vector<32x128xf32>
    %get3A_52 = arith.constant 0 : index
    %get3A_53 = arith.constant 0 : index
    %get3A_54 = arith.constant 0 : index
    %get3A_55 = vector.load %arg3[%get3A_52, %get3A_53, %get3A_54] : memref<1x32x128xf32, #tpu.memory_space<vmem>>, vector<1x32x128xf32>
    %get3A_56 = vector.shape_cast %get3A_55 : vector<1x32x128xf32> to vector<32x128xf32>
    %max3A = arith.maximumf %get3A_51, %get3A_56 : vector<32x128xf32>
    %sub3A = arith.subf %get3A_51, %max3A : vector<32x128xf32>
    %exp3A = math.exp %sub3A : vector<32x128xf32>
    %sub3A_57 = arith.subf %get3A_56, %max3A : vector<32x128xf32>
    %exp3A_58 = math.exp %sub3A_57 : vector<32x128xf32>
    %add3A_59 = arith.addf %exp3A, %exp3A_58 : vector<32x128xf32>
    %log3A = math.log %add3A_59 : vector<32x128xf32>
    %add3A_60 = arith.addf %log3A, %max3A : vector<32x128xf32>
    %sub3A_61 = arith.subf %add3A_60, %get3A_51 : vector<32x128xf32>
    %lt3A_62 = arith.constant 20000 : i32
    %lt3A_63 = vector.broadcast %lt3A_62 : i32 to vector<32x128xi32>
    %lt3A_64 = arith.cmpi slt, %add3A_8, %lt3A_63 : vector<32x128xi32>
    %not3A = arith.constant dense<true> : vector<32x128xi1>
    %not3A_65 = arith.xori %lt3A_64, %not3A : vector<32x128xi1>
    %bitcast_convert_type3A = tpu.bitcast %sub3A_61 : vector<32x128xf32> -> vector<32x128xi32>
    %jit3A_66 = arith.constant -2 : i32
    %broadcast_in_dim3A_67 = vector.broadcast %jit3A_66 : i32 to vector<32x128xi32>
    %select_n3A_68 = arith.select %gt3A_46, %broadcast_in_dim3A_67, %bitcast_convert_type3A : vector<32x128xi1>, vector<32x128xi32>
    %jit3A_69 = arith.constant -1 : i32
    %broadcast_in_dim3A_70 = vector.broadcast %jit3A_69 : i32 to vector<32x128xi32>
    %select_n3A_71 = arith.select %not3A_65, %broadcast_in_dim3A_70, %select_n3A_68 : vector<32x128xi1>, vector<32x128xi32>
    %swap3A = arith.constant 0 : index
    %swap3A_72 = arith.constant 0 : index
    %swap3A_73 = arith.constant 0 : index
    %swap3A_74 = vector.load %arg8[%swap3A, %swap3A_72, %swap3A_73] : memref<1x32x128xi32, #tpu.memory_space<vmem>>, vector<1x32x128xi32>
    %swap3A_75 = vector.shape_cast %swap3A_74 : vector<1x32x128xi32> to vector<32x128xi32>
    %swap3A_76 = vector.shape_cast %select_n3A_71 : vector<32x128xi32> to vector<1x32x128xi32>
    tpu.vector_store %arg8[%swap3A, %swap3A_72, %swap3A_73], %swap3A_76 {strides = array<i32>} : memref<1x32x128xi32, #tpu.memory_space<vmem>>, vector<1x32x128xi32>,
    %max3A_77 = arith.constant 1.000000e+00 : f32
    %max3A_78 = vector.broadcast %max3A_77 : f32 to vector<32x128xf32>
    %max3A_79 = arith.maximumf %scan3A_43#0, %max3A_78 : vector<32x128xf32>
    %add3A_80 = arith.constant 9.99999982E-15 : f32
    %add3A_81 = vector.broadcast %add3A_80 : f32 to vector<32x128xf32>
    %add3A_82 = arith.addf %scan3A_43#1, %add3A_81 : vector<32x128xf32>
    %add3A_83 = arith.constant 9.99999982E-15 : f32
    %add3A_84 = vector.broadcast %add3A_83 : f32 to vector<32x128xf32>
    %add3A_85 = arith.addf %scan3A_43#2, %add3A_84 : vector<32x128xf32>
    %add3A_86 = arith.constant 9.99999982E-15 : f32
    %add3A_87 = vector.broadcast %add3A_86 : f32 to vector<32x128xf32>
    %add3A_88 = arith.addf %scan3A_43#3, %add3A_87 : vector<32x128xf32>
    %add3A_89 = arith.constant 9.99999982E-15 : f32
    %add3A_90 = vector.broadcast %add3A_89 : f32 to vector<32x128xf32>
    %add3A_91 = arith.addf %scan3A_43#4, %add3A_90 : vector<32x128xf32>
    %add3A_92 = arith.constant 9.99999982E-15 : f32
    %add3A_93 = vector.broadcast %add3A_92 : f32 to vector<32x128xf32>
    %add3A_94 = arith.addf %scan3A_43#5, %add3A_93 : vector<32x128xf32>
    %div3A = arith.divf %add3A_82, %max3A_79 : vector<32x128xf32>
    %select_n3A_95 = arith.select %gt3A_46, %div3A, %add3A_82 : vector<32x128xi1>, vector<32x128xf32>
    %div3A_96 = arith.divf %add3A_85, %max3A_79 : vector<32x128xf32>
    %select_n3A_97 = arith.select %gt3A_46, %div3A_96, %add3A_85 : vector<32x128xi1>, vector<32x128xf32>
    %div3A_98 = arith.divf %add3A_88, %max3A_79 : vector<32x128xf32>
    %select_n3A_99 = arith.select %gt3A_46, %div3A_98, %add3A_88 : vector<32x128xi1>, vector<32x128xf32>
    %div3A_100 = arith.divf %add3A_91, %max3A_79 : vector<32x128xf32>
    %select_n3A_101 = arith.select %gt3A_46, %div3A_100, %add3A_91 : vector<32x128xi1>, vector<32x128xf32>
    %div3A_102 = arith.divf %add3A_94, %max3A_79 : vector<32x128xf32>
    %select_n3A_103 = arith.select %gt3A_46, %div3A_102, %add3A_94 : vector<32x128xi1>, vector<32x128xf32>
    %sub3A_104 = arith.subf %select_n3A_95, %get3A_33 : vector<32x128xf32>
    %div3A_105 = arith.constant 5.400000e+01 : f32
    %div3A_106 = vector.broadcast %div3A_105 : f32 to vector<32x128xf32>
    %div3A_107 = arith.divf %sub3A_104, %div3A_106 : vector<32x128xf32>
    %mul3A_108 = arith.constant 1.000000e+01 : f32
    %mul3A_109 = vector.broadcast %mul3A_108 : f32 to vector<32x128xf32>
    %mul3A_110 = arith.mulf %div3A_107, %mul3A_109 : vector<32x128xf32>
    %swap3A_111 = arith.constant 0 : index
    %swap3A_112 = arith.constant 0 : index
    %swap3A_113 = arith.constant 0 : index
    %swap3A_114 = arith.constant 0 : index
    %swap3A_115 = vector.load %arg7[%swap3A_111, %swap3A_112, %swap3A_113, %swap3A_114] : memref<1x5x32x128xf32, #tpu.memory_space<vmem>>, vector<1x1x32x128xf32>
    %swap3A_116 = vector.shape_cast %swap3A_115 : vector<1x1x32x128xf32> to vector<32x128xf32>
    %swap3A_117 = vector.shape_cast %mul3A_110 : vector<32x128xf32> to vector<1x1x32x128xf32>
    tpu.vector_store %arg7[%swap3A_111, %swap3A_112, %swap3A_113, %swap3A_114], %swap3A_117 {strides = array<i32>} : memref<1x5x32x128xf32, #tpu.memory_space<vmem>>, vector<1x1x32x128xf32>,
    %sub3A_118 = arith.subf %select_n3A_97, %get3A_38 : vector<32x128xf32>
    %div3A_119 = arith.constant 5.400000e+01 : f32
    %div3A_120 = vector.broadcast %div3A_119 : f32 to vector<32x128xf32>
    %div3A_121 = arith.divf %sub3A_118, %div3A_120 : vector<32x128xf32>
    %mul3A_122 = arith.constant 1.000000e+01 : f32
    %mul3A_123 = vector.broadcast %mul3A_122 : f32 to vector<32x128xf32>
    %mul3A_124 = arith.mulf %div3A_121, %mul3A_123 : vector<32x128xf32>
    %swap3A_125 = arith.constant 0 : index
    %swap3A_126 = arith.constant 1 : index
    %swap3A_127 = arith.constant 0 : index
    %swap3A_128 = arith.constant 0 : index
    %swap3A_129 = vector.load %arg7[%swap3A_125, %swap3A_126, %swap3A_127, %swap3A_128] : memref<1x5x32x128xf32, #tpu.memory_space<vmem>>, vector<1x1x32x128xf32>
    %swap3A_130 = vector.shape_cast %swap3A_129 : vector<1x1x32x128xf32> to vector<32x128xf32>
    %swap3A_131 = vector.shape_cast %mul3A_124 : vector<32x128xf32> to vector<1x1x32x128xf32>
    tpu.vector_store %arg7[%swap3A_125, %swap3A_126, %swap3A_127, %swap3A_128], %swap3A_131 {strides = array<i32>} : memref<1x5x32x128xf32, #tpu.memory_space<vmem>>, vector<1x1x32x128xf32>,
    %max3A_132 = arith.constant 9.99999982E-15 : f32
    %max3A_133 = vector.broadcast %max3A_132 : f32 to vector<32x128xf32>
    %max3A_134 = arith.maximumf %select_n3A_99, %max3A_133 : vector<32x128xf32>
    %div3A_135 = arith.constant 5.400000e+01 : f32
    %div3A_136 = vector.broadcast %div3A_135 : f32 to vector<32x128xf32>
    %div3A_137 = arith.divf %max3A_134, %div3A_136 : vector<32x128xf32>
    %log3A_138 = math.log %div3A_137 : vector<32x128xf32>
    %mul3A_139 = arith.constant 5.000000e+00 : f32
    %mul3A_140 = vector.broadcast %mul3A_139 : f32 to vector<32x128xf32>
    %mul3A_141 = arith.mulf %log3A_138, %mul3A_140 : vector<32x128xf32>
    %swap3A_142 = arith.constant 0 : index
    %swap3A_143 = arith.constant 2 : index
    %swap3A_144 = arith.constant 0 : index
    %swap3A_145 = arith.constant 0 : index
    %swap3A_146 = vector.load %arg7[%swap3A_142, %swap3A_143, %swap3A_144, %swap3A_145] : memref<1x5x32x128xf32, #tpu.memory_space<vmem>>, vector<1x1x32x128xf32>
    %swap3A_147 = vector.shape_cast %swap3A_146 : vector<1x1x32x128xf32> to vector<32x128xf32>
    %swap3A_148 = vector.shape_cast %mul3A_141 : vector<32x128xf32> to vector<1x1x32x128xf32>
    tpu.vector_store %arg7[%swap3A_142, %swap3A_143, %swap3A_144, %swap3A_145], %swap3A_148 {strides = array<i32>} : memref<1x5x32x128xf32, #tpu.memory_space<vmem>>, vector<1x1x32x128xf32>,
    %max3A_149 = arith.constant 9.99999982E-15 : f32
    %max3A_150 = vector.broadcast %max3A_149 : f32 to vector<32x128xf32>
    %max3A_151 = arith.maximumf %select_n3A_101, %max3A_150 : vector<32x128xf32>
    %div3A_152 = arith.constant 5.400000e+01 : f32
    %div3A_153 = vector.broadcast %div3A_152 : f32 to vector<32x128xf32>
    %div3A_154 = arith.divf %max3A_151, %div3A_153 : vector<32x128xf32>
    %log3A_155 = math.log %div3A_154 : vector<32x128xf32>
    %mul3A_156 = arith.constant 5.000000e+00 : f32
    %mul3A_157 = vector.broadcast %mul3A_156 : f32 to vector<32x128xf32>
    %mul3A_158 = arith.mulf %log3A_155, %mul3A_157 : vector<32x128xf32>
    %swap3A_159 = arith.constant 0 : index
    %swap3A_160 = arith.constant 3 : index
    %swap3A_161 = arith.constant 0 : index
    %swap3A_162 = arith.constant 0 : index
    %swap3A_163 = vector.load %arg7[%swap3A_159, %swap3A_160, %swap3A_161, %swap3A_162] : memref<1x5x32x128xf32, #tpu.memory_space<vmem>>, vector<1x1x32x128xf32>
    %swap3A_164 = vector.shape_cast %swap3A_163 : vector<1x1x32x128xf32> to vector<32x128xf32>
    %swap3A_165 = vector.shape_cast %mul3A_158 : vector<32x128xf32> to vector<1x1x32x128xf32>
    tpu.vector_store %arg7[%swap3A_159, %swap3A_160, %swap3A_161, %swap3A_162], %swap3A_165 {strides = array<i32>} : memref<1x5x32x128xf32, #tpu.memory_space<vmem>>, vector<1x1x32x128xf32>,
    %sub3A_166 = arith.subf %select_n3A_103, %add3A_29 : vector<32x128xf32>
    %div3A_167 = arith.constant 3.000000e+01 : f32
    %div3A_168 = vector.broadcast %div3A_167 : f32 to vector<32x128xf32>
    %div3A_169 = arith.divf %sub3A_166, %div3A_168 : vector<32x128xf32>
    %mul3A_170 = arith.constant 1.000000e+01 : f32
    %mul3A_171 = vector.broadcast %mul3A_170 : f32 to vector<32x128xf32>
    %mul3A_172 = arith.mulf %div3A_169, %mul3A_171 : vector<32x128xf32>
    %swap3A_173 = arith.constant 0 : index
    %swap3A_174 = arith.constant 4 : index
    %swap3A_175 = arith.constant 0 : index
    %swap3A_176 = arith.constant 0 : index
    %swap3A_177 = vector.load %arg7[%swap3A_173, %swap3A_174, %swap3A_175, %swap3A_176] : memref<1x5x32x128xf32, #tpu.memory_space<vmem>>, vector<1x1x32x128xf32>
    %swap3A_178 = vector.shape_cast %swap3A_177 : vector<1x1x32x128xf32> to vector<32x128xf32>
    %swap3A_179 = vector.shape_cast %mul3A_172 : vector<32x128xf32> to vector<1x1x32x128xf32>
    tpu.vector_store %arg7[%swap3A_173, %swap3A_174, %swap3A_175, %swap3A_176], %swap3A_179 {strides = array<i32>} : memref<1x5x32x128xf32, #tpu.memory_space<vmem>>, vector<1x1x32x128xf32>,
    return
  }
  func.func @transform_0(%arg0: i32, %arg1: i32) -> (i32, i32, i32) {
    %c0_i32 = arith.constant 0 : i32
    %c0_i32_0 = arith.constant 0 : i32
    return %arg0, %arg1, %c0_i32 : i32, i32, i32
  }
  func.func @transform_1(%arg0: i32, %arg1: i32) -> (i32, i32, i32) {
    %c0_i32 = arith.constant 0 : i32
    %c0_i32_0 = arith.constant 0 : i32
    return %arg0, %arg1, %c0_i32 : i32, i32, i32
  }
  func.func @transform_2(%arg0: i32, %arg1: i32) -> (i32, i32, i32) {
    %c0_i32 = arith.constant 0 : i32
    %c0_i32_0 = arith.constant 0 : i32
    return %arg0, %arg1, %c0_i32 : i32, i32, i32
  }
  func.func @transform_3(%arg0: i32, %arg1: i32) -> (i32, i32, i32) {
    %c0_i32 = arith.constant 0 : i32
    %c0_i32_0 = arith.constant 0 : i32
    return %arg0, %arg1, %c0_i32 : i32, i32, i32
  }
  func.func @transform_4(%arg0: i32, %arg1: i32) -> (i32, i32, i32) {
    %c0_i32 = arith.constant 0 : i32
    %c0_i32_0 = arith.constant 0 : i32
    %c0_i32_1 = arith.constant 0 : i32
    return %arg0, %c0_i32, %c0_i32_0 : i32, i32, i32
  }
  func.func @transform_5(%arg0: i32, %arg1: i32) -> (i32, i32, i32, i32) {
    %c0_i32 = arith.constant 0 : i32
    %c0_i32_0 = arith.constant 0 : i32
    %c0_i32_1 = arith.constant 0 : i32
    return %arg0, %c0_i32, %arg1, %c0_i32_0 : i32, i32, i32, i32
  }
  func.func @transform_6(%arg0: i32, %arg1: i32) -> (i32, i32, i32) {
    %c0_i32 = arith.constant 0 : i32
    %c0_i32_0 = arith.constant 0 : i32
    return %arg0, %arg1, %c0_i32 : i32, i32, i32
  }
}

</mosaic_0001>

<sc_bundles>
// kernel: kernel.4.cloned.1.call-start
scs
__scs_entry_jumppad:
0x0: {  	(pc) =	sbr.rel $0x88, $3  }
0x1: {  	(tag) =	ssettag $0x0;
	lr =	simm.s32 $0x1  }
0x2: {  	[smem:$0x3F9E] =	sst lr;
	_ =	strace $0xD0000000  }
0x3: {  	_ = 	snop  }
0x4: {  	_ = 	snop  }
0x5: {  	_ = 	snop  }
0x6: {  	_ = 	snop  }
0x7: {  	_ = 	snop  }
__scs_overlays_trampoline_lowered:
0x8: {  	[smem:$0x3FAD] =	sst s0  }
0x9: {  	[smem:$0x3FAE] =	sst s1  }
0xa: {  	[smem:$0x3FAF] =	sst s2  }
0xb: {  	[smem:$0x3FB0] =	sst s3  }
0xc: {  	[smem:$0x3FB1] =	sst s4  }
0xd: {  	[smem:$0x3FB2] =	sst s5  }
0xe: {  	[smem:$0x3FB3] =	sst s6  }
0xf: {  	[smem:$0x3FB4] =	sst s7  }
0x10: {  	[smem:$0x3FB5] =	sst s8  }
0x11: {  	[smem:$0x3FB6] =	sst s9;
	s0 =	simm.s32 @!p0 $0x0  }
0x12: {  	s1 =	sld [smem:$0x3F9C];
	s0 =	simm.s32 @p0 $0x1  }
0x13: {  	[smem:$0x3FB7] =	sst s0;
	s0 =	simm.s32 @!p1 $0x0  }
0x14: {  	s2 =	sld [smem:$0x3F9B];
	s0 =	simm.s32 @p1 $0x1  }
0x15: {  	[smem:$0x3FB8] =	sst s0;
	s0 =	simm.s32 @!p2 $0x0  }
0x16: {  	s3 =	sld [smem:$0x3FDB];
	s0 =	simm.s32 @p2 $0x1  }
0x17: {  	s4 =	simm.s32 $0x1BF5;
	[smem:$0x3FBA] =	sst s0  }
0x18: {  	s0 =	sld [smem:$0x3F9D];
	_ =	swait.ge [sflag:s4], $0x0  }
0x19: {  	s7 =	sld [smem:$0x3F9E]  }
0x1a: {  	s8 =	sadd.s32 $0xFFFFE003, lr  }
0x1b: {  	s9 =	sadd.s32 $0xFFFFFEF7, lr;
	s5 =	simm.s32 $0xFFFFFFFF;
	p2 =	slt.u32 s8, $0xFFFFF086  }
0x1c: {  	p1 =	slt.u32 s9, $0xF7A;
	s5 =	simm.s32 @!p2 $0x0  }
0x1d: {  	s5 =	simm.s32 @p1 $0x1;
	p0 =	seq.s32 s7, s2  }
0x1e: {  	s7 =	smul.u32 @!p0 $0xF7A, s2;
	p2 =	seq.s32 @!p0 s5, $0x0  }
0x1f: {  	s9 =	smul.u32 $0xF7A, s1;
	s8 =	simm.s32 @!p0 $0x1BF5;
	p2 =	por !p2, p0  }
0x20: {  	[sflag:s8] =	ssyncset.s32 @!p0 $0xFFFFF086;
	s6 =	sadd.s32 @!p0 s3, s7;
	s7 =	simm.s32 @!p0 $0x108  }
0x21: {  	s3 =	sadd.s32 s3, s9;
	s6 =	sadd.s32 @!p0 $0x88, s6;
	s7 =	simm.s32 @p2 $0x1082  }
0x22: {  	[simem:s7], [sflag:s8] =	dma.local @!p0 [hbm:s6], $0xF7A  }
0x23: {  	s9 =	sor.u32 $0xD0000000, s2;
	s6 =	simm.s32 $0x108;
	_ =	swait.ge @!p0 [sflag:s8], $0x0  }
0x24: {  	s3 =	sadd.s32 $0x88, s3;
	s6 =	simm.s32 @!p1 $0x1082;
	[sflag:s4] =	ssyncset.s32 $0xFFFFF086  }
0x25: {  	[simem:s6], [sflag:s4] =	dma.local [hbm:s3], $0xF7A  }
0x26: {  	[smem:$0x3F9E] =	sst s1;
	(tag) =	ssettag s2;
	_ =	strace s9  }
0x27: {  	s1 =	sld [smem:$0x3FAE]  }
0x28: {  	s2 =	sld [smem:$0x3FAF]  }
0x29: {  	s4 =	sld [smem:$0x3FB1]  }
0x2a: {  	p0 =	seq.s32 s5, $0x0;
	s5 =	sld [smem:$0x3FB2]  }
0x2b: {  	s6 =	sld [smem:$0x3FB3]  }
0x2c: {  	s7 =	sld [smem:$0x3FB4]  }
0x2d: {  	s3 =	simm.s32 $0x108;
	s8 =	sld [smem:$0x3FB5]  }
0x2e: {  	s3 =	simm.s32 @!p0 $0x1082;
	s9 =	sld [smem:$0x3FB6]  }
0x2f: {  	lr =	sadd.s32 s0, s3;
	s0 =	sld [smem:$0x3FAD]  }
0x30: {  	s3 =	sld [smem:$0x3FB0]  }
0x31: {  	[smem:$0x3FB9] =	sst s10  }
0x32: {  	s10 =	sld [smem:$0x3FB7];
	_ =	sdelay $0x3  }
0x33: {  	p0 =	seq.s32 s10, $0x1;
	s10 =	sld [smem:$0x3FB9];
	_ =	sdelay $0x3  }
0x34: {  	[smem:$0x3FB9] =	sst s10  }
0x35: {  	s10 =	sld [smem:$0x3FB8];
	_ =	sdelay $0x3  }
0x36: {  	p1 =	seq.s32 s10, $0x1;
	s10 =	sld [smem:$0x3FB9];
	_ =	sdelay $0x3  }
0x37: {  	[smem:$0x3FB9] =	sst s10  }
0x38: {  	s10 =	sld [smem:$0x3FBA]  }
0x39: {  	_ = 	snop;
	(pc) =	sbr.ind lr, $3  }
0x3a: {  	_ = 	snop  }
0x3b: {  	_ = 	snop  }
0x3c: {  	p2 =	seq.s32 s10, $0x1;
	s10 =	sld [smem:$0x3FB9]  }
0x3d: {  	_ =	shalt  }
0x3e: {  	_ =	shalt  }
0x3f: {  	_ =	shalt  }
0x40: {  	_ =	shalt  }
0x41: {  	_ =	shalt  }
0x42: {  	_ =	shalt  }
0x43: {  	_ =	shalt  }
0x44: {  	_ =	shalt  }
0x45: {  	_ =	shalt  }
0x46: {  	_ =	shalt  }
0x47: {  	_ =	shalt  }
0x48: {  	_ =	shalt  }
0x49: {  	_ =	shalt  }
0x4a: {  	_ =	shalt  }
0x4b: {  	_ =	shalt  }
0x4c: {  	_ =	shalt  }
0x4d: {  	_ =	shalt  }
0x4e: {  	_ =	shalt  }
0x4f: {  	_ =	shalt  }
0x50: {  	_ =	shalt  }
0x51: {  	_ =	shalt  }
0x52: {  	_ =	shalt  }
0x53: {  	_ =	shalt  }
0x54: {  	_ =	shalt  }
0x55: {  	_ =	shalt  }
0x56: {  	_ =	shalt  }
0x57: {  	_ =	shalt  }
0x58: {  	_ =	shalt  }
0x59: {  	_ =	shalt  }
0x5a: {  	_ =	shalt  }
0x5b: {  	_ =	shalt  }
0x5c: {  	_ =	shalt  }
0x5d: {  	_ =	shalt  }
0x5e: {  	_ =	shalt  }
0x5f: {  	_ =	shalt  }
0x60: {  	_ =	shalt  }
0x61: {  	_ =	shalt  }
0x62: {  	_ =	shalt  }
0x63: {  	_ =	shalt  }
0x64: {  	_ =	shalt  }
0x65: {  	_ =	shalt  }
0x66: {  	_ =	shalt  }
0x67: {  	_ =	shalt  }
0x68: {  	_ =	shalt  }
0x69: {  	_ =	shalt  }
0x6a: {  	_ =	shalt  }
0x6b: {  	_ =	shalt  }
0x6c: {  	_ =	shalt  }
0x6d: {  	_ =	shalt  }
0x6e: {  	_ =	shalt  }
0x6f: {  	_ =	shalt  }
0x70: {  	_ =	shalt  }
0x71: {  	_ =	shalt  }
0x72: {  	_ =	shalt  }
0x73: {  	_ =	shalt  }
0x74: {  	_ =	shalt  }
0x75: {  	_ =	shalt  }
0x76: {  	_ =	shalt  }
0x77: {  	_ =	shalt  }
0x78: {  	_ =	shalt  }
0x79: {  	_ =	shalt  }
0x7a: {  	_ =	shalt  }
0x7b: {  	_ =	shalt  }
0x7c: {  	_ =	shalt  }
0x7d: {  	_ =	shalt  }
0x7e: {  	_ =	shalt  }
0x7f: {  	_ =	shalt  }
0x80: {  	_ =	shalt  }
0x81: {  	_ =	shalt  }
0x82: {  	_ =	shalt  }
0x83: {  	_ =	shalt  }
0x84: {  	_ =	shalt  }
0x85: {  	_ =	shalt  }
0x86: {  	_ =	shalt  }
0x87: {  	_ =	shalt  }
.Lfunc_end0:
.L_simem_size_0:
called_computation_lowered:
.L_overlay_start_0:
0x88: {  	s2 =	sld [smem:$0x3FD9]  }
0x89: {  	s3 =	sld [smem:$0x3FFE];
	_ =	sdelay $0x1  }
0x8a: {  	s1 =	srdreg.scid  }
0x8b: {  	s0 =	sand.u32 $0x1, s1  }
0x8c: {  	s14 =	sshll.u32 s0, $0xA;
	s2 =	sadd.s32 s3, s2  }
0x8d: {  	s2 =	sadd.s32 s2, s14  }
0x8e: {  	[smem:$0x3FC5] =	sst s2  }
0x8f: {  	_ = 	snop  }
0x90: {  	s2 =	sld [smem:$0x3FD0];
	_ =	sdelay $0x2  }
0x91: {  	s15 =	simm.s32 $0xA;
	s4 =	simm.s32 $0x10  }
0x92: {  	[smem:s4], [sflag:s15] =	dma.local [hbm:s2], $0x1  }
0x93: {  	_ =	swait.eq [sflag:s15], $0x1  }
0x94: {  	[sflag:s15] =	ssyncset.done $0x0  }
0x95: {  	s16 =	sld [smem:$0x12];
	[sflag:s15] =	ssyncadd.s32 $0xFFFFFFFF  }
0x96: {  	s17 =	sld [smem:$0x13];
	(tm) =	ssettm $0x1  }
0x97: {  	s18 =	sld [smem:$0x3FFB];
	_ =	sdelay $0x3  }
0x98: {  	_ =	strace s18  }
0x99: {  	s4 =	sld [smem:$0x3FFC];
	_ =	sdelay $0x3  }
0x9a: {  	_ =	strace s4  }
0x9b: {  	s4 =	sld [smem:$0x3FFD];
	_ =	sdelay $0x3  }
0x9c: {  	_ =	strace s4  }
0x9d: {  	_ =	strace $0x8FFFFFFF  }
0x9e: {  	s19 =	sld [smem:$0x3FDB];
	_ =	sdelay $0x1  }
0x9f: {  	s5 =	simm.s32 $_scs_section_size  }
0xa0: {  	s6 =	simm.s32 $_size__tile_overlayer_lowered;
	s7 =	simm.s32 $_tile_overlayer_lowered  }
0xa1: {  	s22 =	simm.s32 $0x1BFF;
	s21 =	sshll.u32 s7, $0x1;
	s4 =	sadd.s32 s5, s19  }
0xa2: {  	s8 =	simm.s32 $0x0;
	s20 =	sshll.u32 s6, $0x1;
	s6 =	sadd.s32 s21, s4  }
0xa3: {  	[timem:s8], [sflag:s22] =	dma.local [hbm:s6], s20  }
0xa4: {  	_ =	swait.ge [sflag:s22], s20  }
0xa5: {  	s5 =	ssub.s32 $0x0, s20;
	[sflag:s22] =	ssyncset.done $0x0  }
0xa6: {  	[sflag:s22] =	ssyncadd.s32 s5;
	_ =	sdelay $0x1  }
0xa7: {  	s23 =	simm.s32 $0x1B8B  }
0xa8: {  	_ =	swait.ge [sflag:s23], $0x1  }
0xa9: {  	[sflag:s23] =	ssyncset.done $0x0  }
0xaa: {  	s25 =	simm.s32 $0x1B8E;
	s24 =	sld [smem:$0x3FFE];
	[sflag:s23] =	ssyncadd.s32 $0xFFFFFFFF  }
0xab: {  	s26 =	simm.s32 $execute0_lowered;
	[smem:$0x3FD2] =	sst s25  }
0xac: {  	s6 =	sshll.u32 s26, $0x1;
	_ =	strace $0x80000046;
	[dreg:$0x1] =	wrdreg $0xFFFFFFFF  }
0xad: {  	s28 =	simm.s32 $_size_execute0_lowered;
	s4 =	sadd.s32 s4, s6;
	[dreg:$0x0] =	wrdreg $0x0  }
0xae: {  	s6 =	sshll.u32 s28, $0x1;
	[dreg:$0x2] =	wrdreg s4  }
0xaf: {  	[dreg:$0x3] =	wrdreg s6  }
0xb0: {  	[dreg:$0x4] =	wrdreg $0xC0  }
0xb1: {  	_ =	task [dreg:s8], $0x5FFFF  }
0xb2: {  	[dreg:$0x1] =	wrdreg $0xFFFFFFFF  }
0xb3: {  	[dreg:$0x0] =	wrdreg $0x60  }
0xb4: {  	[dreg:$0x2] =	wrdreg s17  }
0xb5: {  	[dreg:$0x3] =	wrdreg s16  }
0xb6: {  	[dreg:$0x4] =	wrdreg s24  }
0xb7: {  	[dreg:$0x5] =	wrdreg $0x9  }
0xb8: {  	_ =	task.clear_ibuf [dreg:s8], $0x6FFFF;
	_ =	strace $0x90000046  }
0xb9: {  	s29 =	simm.s32 $0x9;
	_ =	strace $0x80000048  }
0xba: {  	_ =	swait.ge [sflag:s29], $0x1  }
0xbb: {  	[sflag:s29] =	ssyncadd.s32 $0xFFFFFFFF  }
0xbc: {  	_ =	strace $0x90000048  }
0xbd: {  	_ =	sfence  }
0xbe: {  	s30 =	sld [smem:$0x0];
	_ =	sdelay $0x2  }
0xbf: {  	s31 =	sshll.u32 s1, $0xD;
	s1 =	sshrl.u32 s1, $0x2  }
0xc0: {  	s3 =	sand.u32 $0x4000, s31;
	s1 =	sadd.s32 s1, s30  }
0xc1: {  	s0 =	sor.u32 s3, s0;
	s1 =	sshll.u32 s1, $0x11  }
0xc2: {  	s0 =	sor.u32 s1, s0  }
0xc3: {  	s0 =	sadd.s32 $0x8F2B, s0  }
0xc4: {  	[sflag:s0] =	ssyncadd.remote.s32 $0x1  }
0xc5: {  	_ =	sfence.sel $0xFFFF  }
0xc6: {  	[dreg:$0x0] =	wrdreg $0xFFFFFFFF;
	(pc) =	sbr.abs _section_cstart, $3  }
0xc7: {  	[dreg:$0x1] =	wrdreg $0xFFFFFFFF  }
0xc8: {  	_ =	task.clear_ibuf [dreg:s8], $0x2FFFF;
	_ =	strace $0x9FFFFFFF  }
0xc9: {  	(tm) =	ssettm $0x7FFFFFFF  }
tec
execute0_lowered:
.L_overlay_start_1:
0x0: {  	(tag) =	ssettag $0x1  }
0x1: {  	s1 =	stileid.u32  }
0x2: {  	s5 =	sand.u32 $0x3, s1  }
0x3: {  	p0 =	sne.s32 s5, $0x0  }
.Ltmp0:
0x4: {  	s6 =	rddreg [dreg:$0x0];
	(pc) =	sbr.rel @p0 .LBB2_33-.Ltmp0, $4  }
0x5: {  	s3 =	rddreg [dreg:$0x1]  }
0x6: {  	s4 =	rddreg [dreg:$0x2];
	s2 =	simm.s32 $0x0  }
0x7: {  	[smem:$0x7FF] =	sst s2  }
0x8: {  	s0 =	rddreg [dreg:$0x3];
	_ =	strace $0x80000047  }
0x9: {  	s5 =	srdreg.scid  }
0xa: {  	s8 =	sshll.u32 s1, $0x2;
	s11 =	simm.s32 $0x5000;
	s5 =	sand.u32 $0x1, s5  }
0xb: {  	s12 =	simm.s32 $0x6000;
	s13 =	simm.s32 $0xB000;
	s7 =	sshll.u32 s5, $0x6  }
0xc: {  	s14 =	simm.s32 $0x10000;
	s9 =	ssub.s32 $0x2, s5;
	s7 =	sor.u32 s8, s7  }
0xd: {  	s15 =	simm.s32 $0x0;
	s10 =	sshrl.u32 s9, $0x1;
	s8 =	sadd.s32 s7, s4  }
0xe: {  	s3 =	sadd.s32 s3, s7;
	s31 =	ssub.s32 s9, s10;
	s6 =	sadd.s32 s6, s7  }
0xf: {  	v0 =	vlaneseq.u32;
	s9 =	simm.s32 $0x400;
	s10 =	simm.s32 $0x1;
	s4 =	sadd.s32 $0x1400, s8  }
0x10: {  	v1 =	vimm.s32 $0x1;
	v2 =	vimm.s32 $0x0;
	v3 =	vimm.f32 $0.0e+00;
	s5 =	sadd.s32 $0x6400, s8;
	s7 =	smax.u32 s31, $0x1;
	s8 =	simm.s32 $0x80  }
.LBB2_2:
0x11: {  	[tilespmem:s2], [sflag:$0x1] =	stream.strided.gather [hbm4b:s6+s8], $0x5000, s9, s8, $0x38;
	[tilespmem:$0x15000] =	vst v63  }
0x12: {  	_ =	swait.ge [sflag:s10], $0x5000  }
0x13: {  	[sflag:s10] =	ssyncset.done $0x0  }
0x14: {  	s17 =	simm.s32 $0x5040;
	[sflag:s10] =	ssyncadd.s32 $0xFFFFB000  }
0x15: {  	[tilespmem:s17+$0x30] =	vst v2  }
0x16: {  	[tilespmem:s17+$0xFFFFFFC0] =	vst v2  }
0x17: {  	[tilespmem:s17+$0xFFFFFFD0] =	vst v2  }
0x18: {  	[tilespmem:s17+$0xFFFFFFE0] =	vst v2  }
0x19: {  	[tilespmem:s17+$0xFFFFFFF0] =	vst v2  }
0x1a: {  	[tilespmem:s17+$0x0] =	vst v2  }
0x1b: {  	s18 =	simm.s32 $0x0;
	s16 =	simm.s32 $0x40;
	v9 =	vimm.s32 $0x0;
	[tilespmem:s17+$0x10] =	vst v2  }
.LBB2_3:
0x1c: {  	s18 =	sadd.s32 $0x8, s18;
	[tilespmem:s17+$0x20] =	vst v9;
	v9 =	vimm.s32 $0x0;
	s17 =	sadd.s32 $0x80, s17  }
0x1d: {  	[tilespmem:s17+$0x30] =	vst v9;
	p0 =	slt.u32 s18, $0xF8  }
0x1e: {  	[tilespmem:s17+$0xFFFFFFC0] =	vst v9  }
.Ltmp1:
0x1f: {  	[tilespmem:s17+$0xFFFFFFD0] =	vst v9;
	(pc) =	sbr.rel @p0 .LBB2_3-.Ltmp1, $4  }
0x20: {  	[tilespmem:s17+$0xFFFFFFE0] =	vst v9  }
0x21: {  	[tilespmem:s17+$0xFFFFFFF0] =	vst v9  }
0x22: {  	[tilespmem:s17+$0x0] =	vst v9  }
0x23: {  	[tilespmem:s17+$0x10] =	vst v9  }
0x24: {  	[tilespmem:s17+$0x20] =	vst v9  }
0x25: {  	v7 =	vld [tilespmem:s16+$0xFFFFFFC0]  }
0x26: {  	v10 =	vld [tilespmem:s16+$0xFFFFFFD0]  }
0x27: {  	v5 =	vld [tilespmem:s16+$0xFFFFFFE0]  }
0x28: {  	v4 =	vld [tilespmem:s16+$0xFFFFFFF0]  }
0x29: {  	v6 =	vld [tilespmem:s16+$0x0]  }
0x2a: {  	v8 =	vld [tilespmem:s16+$0x20];
	_ =	sdelay $0x2  }
0x2b: {  	v12 =	vshrl.u32 v7, $0x14;
	vm0 =	vgt.s32 v7, $0xFFFFFFFF;
	vm1 =	veq.s32 v7, $0xFFFFFFFE  }
0x2c: {  	v13 =	vshrl.u32 v10, $0x14;
	v15 =	vshrl.u32 v5, $0x14;
	v16 =	vshrl.u32 v4, $0x14  }
0x2d: {  	v20 =	vshrl.u32 v6, $0x14;
	v21 =	vshrl.u32 v8, $0x14;
	v11 =	vsel vm1, $0x1, v2  }
0x2e: {  	v7 =	vld [tilespmem:s16+$0x10];
	vm1 =	veq.s32 v10, $0xFFFFFFFE;
	v12 =	vand.u32 $0xFF0, v12;
	v19 =	vand.u32 $0xFF0, v13  }
0x2f: {  	v17 =	vand.u32 $0xFF0, v15;
	v18 =	vand.u32 $0xFF0, v16;
	v15 =	vand.u32 $0xFF0, v20  }
0x30: {  	v11 =	vadd.s32 v11, v9;
	v14 =	vsel vm1, $0x1, v2;
	vm1 =	veq.s32 v5, $0xFFFFFFFE;
	v9 =	vld [tilespmem:s16+$0x30]  }
0x31: {  	v11 =	vadd.s32 v14, v11;
	v14 =	vsel vm1, $0x1, v2;
	vm1 =	veq.s32 v4, $0xFFFFFFFE  }
0x32: {  	v11 =	vadd.s32 v14, v11;
	v14 =	vsel vm1, $0x1, v2;
	vm1 =	veq.s32 v6, $0xFFFFFFFE  }
0x33: {  	v11 =	vadd.s32 v14, v11;
	v14 =	vsel vm1, $0x1, v2;
	vm1 =	veq.s32 v7, $0xFFFFFFFE  }
0x34: {  	v11 =	vadd.s32 v14, v11;
	v14 =	vsel vm1, $0x1, v2;
	vm1 =	veq.s32 v8, $0xFFFFFFFE  }
0x35: {  	v11 =	vadd.s32 v14, v11;
	v14 =	vsel vm1, $0x1, v2;
	vm1 =	veq.s32 v9, $0xFFFFFFFE  }
0x36: {  	v16 =	vand.u32 $0xFF0, v21;
	v11 =	vadd.s32 v14, v11;
	v14 =	vsel vm1, $0x1, v2  }
0x37: {  	v22 =	vshrl.u32 v9, $0x14;
	v11 =	vadd.s32 v14, v11;
	v14 =	vshrl.u32 v7, $0x14  }
0x38: {  	s17 =	simm.s32 $0xC0;
	s16 =	simm.s32 $0x0;
	v12 =	vor.u32 v0, v12;
	v13 =	vand.u32 $0xFF0, v22;
	v14 =	vand.u32 $0xFF0, v14  }
.LBB2_5:
0x39: {  	v19 =	vor.u32 v0, v19  }
0x3a: {  	v20 =	vld [tilespmem:s17+$0xFFFFFFC0];
	s16 =	sadd.s32 $0x8, s16;
	v17 =	vor.u32 v0, v17;
	v18 =	vor.u32 v0, v18;
	vm7 =	vmmov vm0  }
0x3b: {  	v15 =	vor.u32 v0, v15;
	v14 =	vor.u32 v0, v14;
	v16 =	vor.u32 v0, v16;
	v21 =	vld [tilespmem:s17+$0xFFFFFFD0];
	p0 =	slt.u32 s16, $0x4F8  }
0x3c: {  	vm8 =	vgt.s32 v10, $0xFFFFFFFF;
	vm6 =	vgt.s32 v5, $0xFFFFFFFF;
	v13 =	vor.u32 v0, v13;
	v5 =	vld [tilespmem:s17+$0xFFFFFFE0]  }
0x3d: {  	vm5 =	vgt.s32 v4, $0xFFFFFFFF;
	vm4 =	vgt.s32 v6, $0xFFFFFFFF;
	vm3 =	vgt.s32 v7, $0xFFFFFFFF;
	v4 =	vld [tilespmem:s17+$0xFFFFFFF0]  }
0x3e: {  	vm2 =	vgt.s32 v8, $0xFFFFFFFF;
	vm1 =	vgt.s32 v9, $0xFFFFFFFF;
	v6 =	vld [tilespmem:s17+$0x0]  }
0x3f: {  	v22 =	vshrl.u32 v20, $0x14;
	vm0 =	vgt.s32 v20, $0xFFFFFFFF;
	vm9 =	veq.s32 v20, $0xFFFFFFFE;
	v7 =	vld [tilespmem:s17+$0x10]  }
0x40: {  	v9 =	vsel vm9, $0x1, v2;
	v20 =	vshrl.u32 v21, $0x14;
	vm9 =	veq.s32 v21, $0xFFFFFFFE;
	v8 =	vld [tilespmem:s17+$0x20];
	v10 =	vmovc v21  }
0x41: {  	v11 =	vadd.s32 v9, v11;
	v21 =	vsel vm9, $0x1, v2;
	vm9 =	veq.s32 v5, $0xFFFFFFFE;
	v9 =	vld [tilespmem:s17+$0x30]  }
0x42: {  	v11 =	vadd.s32 v21, v11;
	v21 =	vsel vm9, $0x1, v2;
	vm9 =	veq.s32 v4, $0xFFFFFFFE;
	[tilespmem:v12+s11+$0x0] =	vst.idx.add.s32.msk vm7, v1  }
0x43: {  	v11 =	vadd.s32 v21, v11;
	v12 =	vsel vm9, $0x1, v2;
	vm7 =	veq.s32 v6, $0xFFFFFFFE;
	[tilespmem:v19+s11+$0x0] =	vst.idx.add.s32.msk vm8, v1  }
0x44: {  	v11 =	vadd.s32 v12, v11;
	v12 =	vsel vm7, $0x1, v2;
	vm7 =	veq.s32 v7, $0xFFFFFFFE;
	[tilespmem:v17+s11+$0x0] =	vst.idx.add.s32.msk vm6, v1  }
0x45: {  	v11 =	vadd.s32 v12, v11;
	v12 =	vsel vm7, $0x1, v2;
	vm6 =	veq.s32 v8, $0xFFFFFFFE;
	[tilespmem:v18+s11+$0x0] =	vst.idx.add.s32.msk vm5, v1  }
0x46: {  	v11 =	vadd.s32 v12, v11;
	v12 =	vsel vm6, $0x1, v2;
	vm5 =	veq.s32 v9, $0xFFFFFFFE;
	[tilespmem:v15+s11+$0x0] =	vst.idx.add.s32.msk vm4, v1  }
0x47: {  	v15 =	vshrl.u32 v5, $0x14;
	v11 =	vadd.s32 v12, v11;
	v12 =	vsel vm5, $0x1, v2;
	[tilespmem:v14+s11+$0x0] =	vst.idx.add.s32.msk vm3, v1  }
.Ltmp2:
0x48: {  	v21 =	vshrl.u32 v6, $0x14;
	v14 =	vshrl.u32 v4, $0x14;
	v11 =	vadd.s32 v12, v11;
	[tilespmem:v16+s11+$0x0] =	vst.idx.add.s32.msk vm2, v1;
	(pc) =	sbr.rel @p0 .LBB2_5-.Ltmp2, $4  }
0x49: {  	v23 =	vshrl.u32 v9, $0x14;
	v12 =	vshrl.u32 v7, $0x14;
	v16 =	vshrl.u32 v8, $0x14;
	[tilespmem:v13+s11+$0x0] =	vst.idx.add.s32.msk vm1, v1  }
0x4a: {  	v19 =	vand.u32 $0xFF0, v20;
	v17 =	vand.u32 $0xFF0, v15;
	v13 =	vand.u32 $0xFF0, v22  }
0x4b: {  	v15 =	vand.u32 $0xFF0, v21;
	v18 =	vand.u32 $0xFF0, v14;
	v14 =	vand.u32 $0xFF0, v12  }
0x4c: {  	s17 =	sadd.s32 $0x80, s17;
	v16 =	vand.u32 $0xFF0, v16;
	v12 =	vor.u32 v0, v13;
	v13 =	vand.u32 $0xFF0, v23  }
0x4d: {  	(xrf0) =	vadd.scan.msk.s32 $0xffff, v11;
	_ =	sdelay $0x5  }
0x4e: {  	v11, _, _ =	vpop (xrf0)  }
0x4f: {  	(v2sf) =	vpush v11, $0xF;
	_ =	sdelay $0xb  }
0x50: {  	vm0 =	vmmov vm0  }
0x51: {  	vm1 =	vgt.s32 v10, $0xFFFFFFFF  }
0x52: {  	v59 =	vor.u32 v0, v19;
	vm2 =	vgt.s32 v5, $0xFFFFFFFF  }
0x53: {  	v5 =	vor.u32 v0, v17;
	vm3 =	vgt.s32 v4, $0xFFFFFFFF;
	s16 =	spop (v2sf)  }
0x54: {  	v4 =	vor.u32 v0, v18;
	vm4 =	vgt.s32 v6, $0xFFFFFFFF;
	s18 =	smul.u32 $0x3, s16  }
0x55: {  	v60 =	vor.u32 v0, v15;
	vm5 =	vgt.s32 v7, $0xFFFFFFFF;
	s17 =	ssub.s32 $0x4E20, s16  }
0x56: {  	v61 =	vor.u32 v0, v14;
	vm6 =	vgt.s32 v8, $0xFFFFFFFF;
	[tilespmem:v12+s11+$0x0] =	vst.idx.add.s32.msk vm0, v1;
	p0 =	slt.s32 s18, s17  }
0x57: {  	v62 =	vor.u32 v0, v16;
	vm15 =	vgt.s32 v9, $0xFFFFFFFF;
	[tilespmem:v59+s11+$0x0] =	vst.idx.add.s32.msk vm1, v1;
	s17 =	smov.u32 @p0 s18  }
0x58: {  	v63 =	vor.u32 v0, v13;
	[tilespmem:v5+s11+$0x0] =	vst.idx.add.s32.msk vm2, v1;
	p0 =	slt.s32 s17, $0x1  }
.Ltmp3:
0x59: {  	[tilespmem:v4+s11+$0x0] =	vst.idx.add.s32.msk vm3, v1;
	(pc) =	sbr.rel @p0 .LBB2_8-.Ltmp3, $4  }
0x5a: {  	[tilespmem:v60+s11+$0x0] =	vst.idx.add.s32.msk vm4, v1  }
0x5b: {  	[tilespmem:v61+s11+$0x0] =	vst.idx.add.s32.msk vm5, v1  }
0x5c: {  	s19 =	simm.s32 $0x0;
	[tilespmem:v62+s11+$0x0] =	vst.idx.add.s32.msk vm6, v1  }
0x5d: {  	s21 =	simm.s32 $0x5FF0;
	s20 =	simm.s32 $0x0;
	[tilespmem:v63+s11+$0x0] =	vst.idx.add.s32.msk vm15, v1;
	s18 =	simm.s32 $0x100  }
.LBB2_7:
0x5e: {  	v4 =	vld [tilespmem:s21+$0x0];
	_ =	sdelay $0x4  }
0x5f: {  	(xrf0) =	vadd.scan.msk.s32 $0xffff, v4;
	_ =	sdelay $0x5  }
0x60: {  	v4, _, _ =	vpop (xrf0)  }
0x61: {  	(v2sf) =	vpush v4, $0xF;
	_ =	sdelay $0xe  }
0x62: {  	s20 =	spop (v2sf)  }
0x63: {  	s19 =	sadd.s32 s19, s20  }
0x64: {  	p0 =	slt.s32 s19, s17  }
.Ltmp4:
0x65: {  	_ = 	snop;
	(pc) =	sbr.rel @p0 .LBB2_7-.Ltmp4, $2  }
0x66: {  	_ =	sdelay $0x2  }
0x67: {  	s18 =	sadd.s32 $0xFFFFFFFF, s18;
	s21 =	sadd.s32 $0xFFFFFFF0, s21  }
.LBB2_8:
0x68: {  	s21 =	simm.s32 $0x5040  }
0x69: {  	[tilespmem:s21+$0xFFFFFFC0] =	vst v2  }
0x6a: {  	[tilespmem:s21+$0x30] =	vst v2  }
0x6b: {  	[tilespmem:s21+$0x20] =	vst v2  }
0x6c: {  	[tilespmem:s21+$0x10] =	vst v2  }
0x6d: {  	[tilespmem:s21+$0x0] =	vst v2  }
0x6e: {  	[tilespmem:s21+$0xFFFFFFF0] =	vst v2  }
0x6f: {  	s22 =	simm.s32 $0x0;
	[tilespmem:s21+$0xFFFFFFE0] =	vst v2  }
.LBB2_9:
0x70: {  	s22 =	sadd.s32 $0x8, s22;
	[tilespmem:s21+$0xFFFFFFD0] =	vst v2;
	s21 =	sadd.s32 $0x80, s21  }
0x71: {  	[tilespmem:s21+$0xFFFFFFC0] =	vst v2;
	p0 =	slt.u32 s22, $0xF8  }
0x72: {  	[tilespmem:s21+$0x30] =	vst v2  }
.Ltmp5:
0x73: {  	[tilespmem:s21+$0x20] =	vst v2;
	(pc) =	sbr.rel @p0 .LBB2_9-.Ltmp5, $4  }
0x74: {  	[tilespmem:s21+$0x10] =	vst v2  }
0x75: {  	[tilespmem:s21+$0x0] =	vst v2  }
0x76: {  	[tilespmem:s21+$0xFFFFFFF0] =	vst v2  }
0x77: {  	[tilespmem:s21+$0xFFFFFFE0] =	vst v2  }
0x78: {  	[tilespmem:s21+$0xFFFFFFD0] =	vst v2;
	s31 =	simm.s32 $0x40  }
0x79: {  	v5 =	vld [tilespmem:s31+$0xFFFFFFC0]  }
0x7a: {  	v7 =	vld [tilespmem:s31+$0x30]  }
0x7b: {  	v6 =	vld [tilespmem:s31+$0xFFFFFFF0];
	_ =	sdelay $0x2  }
0x7c: {  	v4 =	vmov s18;
	v11 =	vld [tilespmem:s31+$0xFFFFFFE0];
	v8 =	vshrl.u32 v5, $0x18;
	v5 =	vshrl.u32 v5, $0xC  }
0x7d: {  	v9 =	vld [tilespmem:s31+$0x0];
	v10 =	vshrl.u32 v7, $0xC;
	vm0 =	veq.s32 v8, v4;
	v5 =	vand.u32 $0xFF0, v5  }
0x7e: {  	v8 =	vshrl.u32 v6, $0xC;
	v6 =	vshrl.u32 v6, $0x18;
	v12 =	vor.u32 v0, v5  }
0x7f: {  	v7 =	vshrl.u32 v7, $0x18;
	v8 =	vand.u32 $0xFF0, v8;
	v5 =	vld [tilespmem:s31+$0x20];
	vm1 =	veq.s32 v6, v4  }
0x80: {  	v13 =	vand.u32 $0xFF0, v10;
	vm2 =	veq.s32 v7, v4;
	v6 =	vld [tilespmem:s31+$0xFFFFFFD0];
	v8 =	vor.u32 v0, v8  }
0x81: {  	v7 =	vor.u32 v0, v13  }
0x82: {  	v14 =	vshrl.u32 v9, $0xC;
	v10 =	vshrl.u32 v11, $0xC;
	v13 =	vshrl.u32 v9, $0x18;
	v9 =	vld [tilespmem:s31+$0x10]  }
0x83: {  	s21 =	simm.s32 $0x0;
	s22 =	simm.s32 $0xC0;
	v11 =	vshrl.u32 v11, $0x18;
	[tilespmem:v12+s11+$0x0] =	vst.idx.add.s32.msk vm0, v1;
	vm0 =	veq.s32 v13, v4;
	v12 =	vand.u32 $0xFF0, v14  }
.LBB2_11:
0x84: {  	v13 =	vld [tilespmem:s22+$0xFFFFFFF0];
	s21 =	sadd.s32 $0x8, s21;
	vm5 =	veq.s32 v11, v4;
	v10 =	vand.u32 $0xFF0, v10;
	v11 =	vor.u32 v0, v12  }
0x85: {  	v12 =	vshrl.u32 v6, $0x18;
	p0 =	slt.u32 s21, $0x4F8;
	v10 =	vor.u32 v0, v10;
	[tilespmem:v8+s11+$0x0] =	vst.idx.add.s32.msk vm1, v1;
	v8 =	vshrl.u32 v5, $0x18  }
0x86: {  	vm4 =	veq.s32 v12, v4;
	v5 =	vshrl.u32 v5, $0xC;
	vm3 =	veq.s32 v8, v4;
	[tilespmem:v7+s11+$0x0] =	vst.idx.add.s32.msk vm2, v1  }
0x87: {  	v6 =	vshrl.u32 v6, $0xC;
	v5 =	vand.u32 $0xFF0, v5;
	v7 =	vld [tilespmem:s22+$0xFFFFFFC0];
	v8 =	vshrl.u32 v9, $0xC  }
0x88: {  	v6 =	vand.u32 $0xFF0, v6;
	v9 =	vshrl.u32 v9, $0x18;
	v14 =	vor.u32 v0, v5;
	v12 =	vld [tilespmem:s22+$0x30]  }
0x89: {  	vm6 =	veq.s32 v9, v4;
	v8 =	vand.u32 $0xFF0, v8;
	v15 =	vshrl.u32 v13, $0xC;
	v5 =	vld [tilespmem:s22+$0x20]  }
0x8a: {  	v16 =	vor.u32 v0, v6;
	v17 =	vor.u32 v0, v8;
	v9 =	vld [tilespmem:s22+$0xFFFFFFE0]  }
0x8b: {  	[tilespmem:v10+s11+$0x0] =	vst.idx.add.s32.msk vm5, v1  }
0x8c: {  	v6 =	vshrl.u32 v7, $0x18;
	v7 =	vshrl.u32 v7, $0xC;
	[tilespmem:v11+s11+$0x0] =	vst.idx.add.s32.msk vm0, v1  }
0x8d: {  	vm0 =	veq.s32 v6, v4;
	v6 =	vand.u32 $0xFF0, v7;
	v7 =	vshrl.u32 v13, $0x18;
	v13 =	vld [tilespmem:s22+$0x0]  }
0x8e: {  	v8 =	vand.u32 $0xFF0, v15;
	v10 =	vshrl.u32 v12, $0xC;
	v18 =	vor.u32 v0, v6;
	v6 =	vld [tilespmem:s22+$0xFFFFFFD0]  }
.Ltmp6:
0x8f: {  	vm1 =	veq.s32 v7, v4;
	v7 =	vshrl.u32 v12, $0x18;
	v11 =	vand.u32 $0xFF0, v10;
	[tilespmem:v16+s11+$0x0] =	vst.idx.add.s32.msk vm4, v1;
	(pc) =	sbr.rel @p0 .LBB2_11-.Ltmp6, $4  }
0x90: {  	v8 =	vor.u32 v0, v8;
	vm2 =	veq.s32 v7, v4;
	[tilespmem:v14+s11+$0x0] =	vst.idx.add.s32.msk vm3, v1  }
0x91: {  	v10 =	vshrl.u32 v9, $0xC;
	v7 =	vor.u32 v0, v11;
	[tilespmem:v17+s11+$0x0] =	vst.idx.add.s32.msk vm6, v1  }
0x92: {  	v11 =	vshrl.u32 v9, $0x18;
	v12 =	vshrl.u32 v13, $0x18;
	v13 =	vshrl.u32 v13, $0xC;
	v9 =	vld [tilespmem:s22+$0x10]  }
0x93: {  	s22 =	sadd.s32 $0x80, s22;
	[tilespmem:v18+s11+$0x0] =	vst.idx.add.s32.msk vm0, v1;
	vm0 =	veq.s32 v12, v4;
	v12 =	vand.u32 $0xFF0, v13  }
0x94: {  	vm3 =	veq.s32 v11, v4;
	v10 =	vand.u32 $0xFF0, v10;
	v59 =	vshrl.u32 v6, $0x18  }
0x95: {  	v12 =	vor.u32 v0, v12;
	v60 =	vshrl.u32 v5, $0x18;
	v61 =	vshrl.u32 v6, $0xC  }
0x96: {  	v5 =	vshrl.u32 v5, $0xC;
	vm4 =	veq.s32 v59, v4;
	v10 =	vor.u32 v0, v10  }
0x97: {  	vm5 =	veq.s32 v60, v4;
	v6 =	vand.u32 $0xFF0, v61;
	v5 =	vand.u32 $0xFF0, v5  }
0x98: {  	s19 =	ssub.s32 s20, s19;
	v6 =	vor.u32 v0, v6;
	v62 =	vshrl.u32 v9, $0xC;
	v63 =	vshrl.u32 v9, $0x18  }
0x99: {  	[tilespmem:v8+s11+$0x0] =	vst.idx.add.s32.msk vm1, v1;
	s19 =	sadd.s32 s17, s19;
	v5 =	vor.u32 v0, v5;
	vm15 =	veq.s32 v63, v4;
	v4 =	vand.u32 $0xFF0, v62  }
0x9a: {  	[tilespmem:v7+s11+$0x0] =	vst.idx.add.s32.msk vm2, v1;
	p0 =	sgt.s32 s19, $0x0;
	v4 =	vor.u32 v0, v4  }
.Ltmp7:
0x9b: {  	[tilespmem:v12+s11+$0x0] =	vst.idx.add.s32.msk vm0, v1;
	(pc) =	sbr.rel @!p0 .LBB2_14-.Ltmp7, $4  }
0x9c: {  	[tilespmem:v10+s11+$0x0] =	vst.idx.add.s32.msk vm3, v1  }
0x9d: {  	[tilespmem:v6+s11+$0x0] =	vst.idx.add.s32.msk vm4, v1  }
0x9e: {  	s20 =	simm.s32 $0x100;
	[tilespmem:v5+s11+$0x0] =	vst.idx.add.s32.msk vm5, v1  }
0x9f: {  	s21 =	simm.s32 $0x0;
	s23 =	simm.s32 $0x5FF0;
	s22 =	simm.s32 $0x0;
	[tilespmem:v4+s11+$0x0] =	vst.idx.add.s32.msk vm15, v1  }
.LBB2_13:
0xa0: {  	v4 =	vld [tilespmem:s23+$0x0];
	_ =	sdelay $0x4  }
0xa1: {  	(xrf0) =	vadd.scan.msk.s32 $0xffff, v4;
	_ =	sdelay $0x5  }
0xa2: {  	v4, _, _ =	vpop (xrf0)  }
0xa3: {  	(v2sf) =	vpush v4, $0xF;
	_ =	sdelay $0xe  }
0xa4: {  	s22 =	spop (v2sf)  }
0xa5: {  	s21 =	sadd.s32 s21, s22  }
0xa6: {  	p0 =	slt.s32 s21, s19  }
.Ltmp8:
0xa7: {  	_ = 	snop;
	(pc) =	sbr.rel @p0 .LBB2_13-.Ltmp8, $2  }
0xa8: {  	_ =	sdelay $0x2  }
0xa9: {  	s20 =	sadd.s32 $0xFFFFFFFF, s20;
	s23 =	sadd.s32 $0xFFFFFFF0, s23  }
.LBB2_14:
0xaa: {  	s23 =	simm.s32 $0x5040  }
0xab: {  	[tilespmem:s23+$0xFFFFFFC0] =	vst v2  }
0xac: {  	[tilespmem:s23+$0x30] =	vst v2  }
0xad: {  	[tilespmem:s23+$0x20] =	vst v2  }
0xae: {  	[tilespmem:s23+$0x10] =	vst v2  }
0xaf: {  	[tilespmem:s23+$0x0] =	vst v2  }
0xb0: {  	[tilespmem:s23+$0xFFFFFFF0] =	vst v2  }
0xb1: {  	s24 =	simm.s32 $0x0;
	[tilespmem:s23+$0xFFFFFFE0] =	vst v2  }
.LBB2_15:
0xb2: {  	s24 =	sadd.s32 $0x8, s24;
	[tilespmem:s23+$0xFFFFFFD0] =	vst v2;
	s23 =	sadd.s32 $0x80, s23  }
0xb3: {  	[tilespmem:s23+$0xFFFFFFC0] =	vst v2;
	p0 =	slt.u32 s24, $0xF8  }
0xb4: {  	[tilespmem:s23+$0x30] =	vst v2  }
.Ltmp9:
0xb5: {  	[tilespmem:s23+$0x20] =	vst v2;
	(pc) =	sbr.rel @p0 .LBB2_15-.Ltmp9, $4  }
0xb6: {  	[tilespmem:s23+$0x10] =	vst v2  }
0xb7: {  	[tilespmem:s23+$0x0] =	vst v2  }
0xb8: {  	[tilespmem:s23+$0xFFFFFFF0] =	vst v2  }
0xb9: {  	[tilespmem:s23+$0xFFFFFFE0] =	vst v2  }
0xba: {  	[tilespmem:s23+$0xFFFFFFD0] =	vst v2;
	s31 =	simm.s32 $0x40  }
0xbb: {  	v5 =	vld [tilespmem:s31+$0xFFFFFFC0]  }
0xbc: {  	v7 =	vld [tilespmem:s31+$0x30]  }
0xbd: {  	v6 =	vld [tilespmem:s31+$0xFFFFFFF0]  }
0xbe: {  	s18 =	sshll.u32 s18, $0x8  }
0xbf: {  	s20 =	sor.u32 s18, s20  }
0xc0: {  	v11 =	vld [tilespmem:s31+$0xFFFFFFE0];
	v4 =	vmov s20;
	v8 =	vshrl.u32 v5, $0x10;
	v5 =	vshrl.u32 v5, $0x4  }
0xc1: {  	v9 =	vld [tilespmem:s31+$0x0];
	v10 =	vshrl.u32 v7, $0x4;
	vm0 =	veq.s32 v8, v4;
	v5 =	vand.u32 $0xFF0, v5  }
0xc2: {  	v8 =	vshrl.u32 v6, $0x4;
	v6 =	vshrl.u32 v6, $0x10;
	v12 =	vor.u32 v0, v5  }
0xc3: {  	v7 =	vshrl.u32 v7, $0x10;
	v8 =	vand.u32 $0xFF0, v8;
	v5 =	vld [tilespmem:s31+$0x20];
	vm1 =	veq.s32 v6, v4  }
0xc4: {  	v13 =	vand.u32 $0xFF0, v10;
	vm2 =	veq.s32 v7, v4;
	v6 =	vld [tilespmem:s31+$0xFFFFFFD0];
	v8 =	vor.u32 v0, v8  }
0xc5: {  	v7 =	vor.u32 v0, v13  }
0xc6: {  	v14 =	vshrl.u32 v9, $0x4;
	v10 =	vshrl.u32 v11, $0x4;
	v13 =	vshrl.u32 v9, $0x10;
	v9 =	vld [tilespmem:s31+$0x10]  }
0xc7: {  	s23 =	simm.s32 $0xC0;
	s18 =	simm.s32 $0x0;
	v11 =	vshrl.u32 v11, $0x10;
	[tilespmem:v12+s11+$0x0] =	vst.idx.add.s32.msk vm0, v1;
	vm0 =	veq.s32 v13, v4;
	v12 =	vand.u32 $0xFF0, v14  }
.LBB2_17:
0xc8: {  	v13 =	vld [tilespmem:s23+$0xFFFFFFF0];
	s18 =	sadd.s32 $0x8, s18;
	vm5 =	veq.s32 v11, v4;
	v10 =	vand.u32 $0xFF0, v10;
	v11 =	vor.u32 v0, v12  }
0xc9: {  	v12 =	vshrl.u32 v6, $0x10;
	p0 =	slt.u32 s18, $0x4F8;
	v10 =	vor.u32 v0, v10;
	[tilespmem:v8+s11+$0x0] =	vst.idx.add.s32.msk vm1, v1;
	v8 =	vshrl.u32 v5, $0x10  }
0xca: {  	vm4 =	veq.s32 v12, v4;
	v5 =	vshrl.u32 v5, $0x4;
	vm3 =	veq.s32 v8, v4;
	[tilespmem:v7+s11+$0x0] =	vst.idx.add.s32.msk vm2, v1  }
0xcb: {  	v6 =	vshrl.u32 v6, $0x4;
	v5 =	vand.u32 $0xFF0, v5;
	v7 =	vld [tilespmem:s23+$0xFFFFFFC0];
	v8 =	vshrl.u32 v9, $0x4  }
0xcc: {  	v6 =	vand.u32 $0xFF0, v6;
	v9 =	vshrl.u32 v9, $0x10;
	v14 =	vor.u32 v0, v5;
	v12 =	vld [tilespmem:s23+$0x30]  }
0xcd: {  	vm6 =	veq.s32 v9, v4;
	v8 =	vand.u32 $0xFF0, v8;
	v15 =	vshrl.u32 v13, $0x4;
	v5 =	vld [tilespmem:s23+$0x20]  }
0xce: {  	v16 =	vor.u32 v0, v6;
	v17 =	vor.u32 v0, v8;
	v9 =	vld [tilespmem:s23+$0xFFFFFFE0]  }
0xcf: {  	[tilespmem:v10+s11+$0x0] =	vst.idx.add.s32.msk vm5, v1  }
0xd0: {  	v6 =	vshrl.u32 v7, $0x10;
	v7 =	vshrl.u32 v7, $0x4;
	[tilespmem:v11+s11+$0x0] =	vst.idx.add.s32.msk vm0, v1  }
0xd1: {  	vm0 =	veq.s32 v6, v4;
	v6 =	vand.u32 $0xFF0, v7;
	v7 =	vshrl.u32 v13, $0x10;
	v13 =	vld [tilespmem:s23+$0x0]  }
0xd2: {  	v8 =	vand.u32 $0xFF0, v15;
	v10 =	vshrl.u32 v12, $0x4;
	v18 =	vor.u32 v0, v6;
	v6 =	vld [tilespmem:s23+$0xFFFFFFD0]  }
.Ltmp10:
0xd3: {  	vm1 =	veq.s32 v7, v4;
	v7 =	vshrl.u32 v12, $0x10;
	v11 =	vand.u32 $0xFF0, v10;
	[tilespmem:v16+s11+$0x0] =	vst.idx.add.s32.msk vm4, v1;
	(pc) =	sbr.rel @p0 .LBB2_17-.Ltmp10, $4  }
0xd4: {  	v8 =	vor.u32 v0, v8;
	vm2 =	veq.s32 v7, v4;
	[tilespmem:v14+s11+$0x0] =	vst.idx.add.s32.msk vm3, v1  }
0xd5: {  	v10 =	vshrl.u32 v9, $0x4;
	v7 =	vor.u32 v0, v11;
	[tilespmem:v17+s11+$0x0] =	vst.idx.add.s32.msk vm6, v1  }
0xd6: {  	v11 =	vshrl.u32 v9, $0x10;
	v12 =	vshrl.u32 v13, $0x10;
	v13 =	vshrl.u32 v13, $0x4;
	v9 =	vld [tilespmem:s23+$0x10]  }
0xd7: {  	s23 =	sadd.s32 $0x80, s23;
	[tilespmem:v18+s11+$0x0] =	vst.idx.add.s32.msk vm0, v1;
	vm0 =	veq.s32 v12, v4;
	v12 =	vand.u32 $0xFF0, v13  }
0xd8: {  	vm3 =	veq.s32 v11, v4;
	v10 =	vand.u32 $0xFF0, v10;
	v59 =	vshrl.u32 v6, $0x10  }
0xd9: {  	v12 =	vor.u32 v0, v12;
	v60 =	vshrl.u32 v5, $0x10;
	v61 =	vshrl.u32 v6, $0x4  }
0xda: {  	v5 =	vshrl.u32 v5, $0x4;
	vm4 =	veq.s32 v59, v4;
	v10 =	vor.u32 v0, v10  }
0xdb: {  	vm5 =	veq.s32 v60, v4;
	v6 =	vand.u32 $0xFF0, v61;
	v5 =	vand.u32 $0xFF0, v5  }
0xdc: {  	s18 =	ssub.s32 s22, s21;
	v6 =	vor.u32 v0, v6;
	v62 =	vshrl.u32 v9, $0x4;
	v63 =	vshrl.u32 v9, $0x10  }
0xdd: {  	[tilespmem:v8+s11+$0x0] =	vst.idx.add.s32.msk vm1, v1;
	s18 =	sadd.s32 s19, s18;
	v5 =	vor.u32 v0, v5;
	vm15 =	veq.s32 v63, v4;
	v4 =	vand.u32 $0xFF0, v62  }
0xde: {  	[tilespmem:v7+s11+$0x0] =	vst.idx.add.s32.msk vm2, v1;
	p0 =	sgt.s32 s18, $0x0;
	v4 =	vor.u32 v0, v4  }
.Ltmp11:
0xdf: {  	[tilespmem:v12+s11+$0x0] =	vst.idx.add.s32.msk vm0, v1;
	(pc) =	sbr.rel @!p0 .LBB2_20-.Ltmp11, $4  }
0xe0: {  	[tilespmem:v10+s11+$0x0] =	vst.idx.add.s32.msk vm3, v1  }
0xe1: {  	[tilespmem:v6+s11+$0x0] =	vst.idx.add.s32.msk vm4, v1  }
0xe2: {  	s22 =	simm.s32 $0x100;
	[tilespmem:v5+s11+$0x0] =	vst.idx.add.s32.msk vm5, v1  }
0xe3: {  	s23 =	simm.s32 $0x5FF0;
	s21 =	simm.s32 $0x0;
	s19 =	simm.s32 $0x0;
	[tilespmem:v4+s11+$0x0] =	vst.idx.add.s32.msk vm15, v1  }
.LBB2_19:
0xe4: {  	v4 =	vld [tilespmem:s23+$0x0];
	_ =	sdelay $0x4  }
0xe5: {  	(xrf0) =	vadd.scan.msk.s32 $0xffff, v4;
	_ =	sdelay $0x5  }
0xe6: {  	v4, _, _ =	vpop (xrf0)  }
0xe7: {  	(v2sf) =	vpush v4, $0xF;
	_ =	sdelay $0xe  }
0xe8: {  	s21 =	spop (v2sf)  }
0xe9: {  	s19 =	sadd.s32 s19, s21  }
0xea: {  	p0 =	slt.s32 s19, s18  }
.Ltmp12:
0xeb: {  	_ = 	snop;
	(pc) =	sbr.rel @p0 .LBB2_19-.Ltmp12, $2  }
0xec: {  	_ =	sdelay $0x2  }
0xed: {  	s22 =	sadd.s32 $0xFFFFFFFF, s22;
	s23 =	sadd.s32 $0xFFFFFFF0, s23  }
.LBB2_20:
0xee: {  	s23 =	simm.s32 $0x5040  }
0xef: {  	[tilespmem:s23+$0xFFFFFFC0] =	vst v2  }
0xf0: {  	[tilespmem:s23+$0x30] =	vst v2  }
0xf1: {  	[tilespmem:s23+$0x20] =	vst v2  }
0xf2: {  	[tilespmem:s23+$0x10] =	vst v2  }
0xf3: {  	[tilespmem:s23+$0x0] =	vst v2  }
0xf4: {  	[tilespmem:s23+$0xFFFFFFF0] =	vst v2  }
0xf5: {  	s24 =	simm.s32 $0x0;
	[tilespmem:s23+$0xFFFFFFE0] =	vst v2  }
.LBB2_21:
0xf6: {  	s24 =	sadd.s32 $0x8, s24;
	[tilespmem:s23+$0xFFFFFFD0] =	vst v2;
	s23 =	sadd.s32 $0x80, s23  }
0xf7: {  	[tilespmem:s23+$0xFFFFFFC0] =	vst v2;
	p0 =	slt.u32 s24, $0xF8  }
0xf8: {  	[tilespmem:s23+$0x30] =	vst v2  }
.Ltmp13:
0xf9: {  	[tilespmem:s23+$0x20] =	vst v2;
	(pc) =	sbr.rel @p0 .LBB2_21-.Ltmp13, $4  }
0xfa: {  	[tilespmem:s23+$0x10] =	vst v2  }
0xfb: {  	[tilespmem:s23+$0x0] =	vst v2  }
0xfc: {  	[tilespmem:s23+$0xFFFFFFF0] =	vst v2  }
0xfd: {  	[tilespmem:s23+$0xFFFFFFE0] =	vst v2  }
0xfe: {  	[tilespmem:s23+$0xFFFFFFD0] =	vst v2;
	s31 =	simm.s32 $0x40  }
0xff: {  	v5 =	vld [tilespmem:s31+$0x30]  }
0x100: {  	v6 =	vld [tilespmem:s31+$0xFFFFFFD0]  }
0x101: {  	v7 =	vld [tilespmem:s31+$0xFFFFFFE0]  }
0x102: {  	v8 =	vld [tilespmem:s31+$0xFFFFFFF0]  }
0x103: {  	s20 =	sshll.u32 s20, $0x8;
	v13 =	vld [tilespmem:s31+$0xFFFFFFC0]  }
0x104: {  	s20 =	sor.u32 s20, s22  }
0x105: {  	v10 =	vld [tilespmem:s31+$0x0];
	v4 =	vmov s20;
	v9 =	vshrl.u32 v5, $0x8;
	v5 =	vshll.u32 v5, $0x4  }
0x106: {  	v12 =	vld [tilespmem:s31+$0x10];
	v11 =	vshll.u32 v6, $0x4;
	v16 =	vshrl.u32 v6, $0x8;
	v6 =	vshll.u32 v7, $0x4  }
0x107: {  	v18 =	vshrl.u32 v7, $0x8;
	v7 =	vshll.u32 v8, $0x4;
	v8 =	vshrl.u32 v8, $0x8  }
0x108: {  	v14 =	vld [tilespmem:s31+$0x20];
	v20 =	vshrl.u32 v13, $0x8;
	v15 =	vshll.u32 v13, $0x4;
	vm1 =	veq.s32 v9, v4  }
0x109: {  	v5 =	vor.u32 v0, v5;
	v17 =	vor.u32 v0, v11;
	v19 =	vor.u32 v0, v6  }
0x10a: {  	v6 =	vshll.u32 v10, $0x4;
	v9 =	vor.u32 v0, v7;
	v5 =	vand.u32 $0xFFF, v5  }
0x10b: {  	v10 =	vshrl.u32 v10, $0x8;
	v7 =	vshll.u32 v12, $0x4;
	v12 =	vshrl.u32 v12, $0x8  }
0x10c: {  	vm2 =	veq.s32 v20, v4;
	vm0 =	veq.s32 v16, v4;
	v11 =	vor.u32 v0, v6  }
0x10d: {  	v6 =	vshll.u32 v14, $0x4;
	v13 =	vor.u32 v0, v7;
	v7 =	vor.u32 v0, v15  }
0x10e: {  	v15 =	vshrl.u32 v14, $0x8;
	v14 =	vor.u32 v0, v6;
	v6 =	vand.u32 $0xFFF, v7  }
0x10f: {  	s23 =	simm.s32 $0xC0;
	s22 =	simm.s32 $0x0;
	v7 =	vand.u32 $0xFFF, v17;
	[tilespmem:v5+s11+$0x0] =	vst.idx.add.s32.msk vm1, v1;
	vm1 =	veq.s32 v18, v4;
	v5 =	vand.u32 $0xFFF, v19  }
.LBB2_23:
0x110: {  	v16 =	vld [tilespmem:s23+$0x30];
	s22 =	sadd.s32 $0x8, s22;
	vm6 =	veq.s32 v8, v4;
	v17 =	vand.u32 $0xFFF, v9;
	vm4 =	veq.s32 v10, v4  }
0x111: {  	v18 =	vand.u32 $0xFFF, v11;
	vm5 =	veq.s32 v12, v4;
	v19 =	vand.u32 $0xFFF, v13;
	v8 =	vld [tilespmem:s23+$0xFFFFFFD0];
	p0 =	slt.u32 s22, $0x4F8  }
0x112: {  	vm3 =	veq.s32 v15, v4;
	v20 =	vand.u32 $0xFFF, v14;
	v9 =	vld [tilespmem:s23+$0xFFFFFFE0]  }
0x113: {  	v10 =	vld [tilespmem:s23+$0xFFFFFFF0]  }
0x114: {  	v11 =	vld [tilespmem:s23+$0x0]  }
0x115: {  	v12 =	vld [tilespmem:s23+$0x10];
	v13 =	vshrl.u32 v16, $0x8;
	v14 =	vshll.u32 v16, $0x4  }
0x116: {  	v15 =	vshll.u32 v8, $0x4;
	v16 =	vld [tilespmem:s23+$0x20];
	vm7 =	veq.s32 v13, v4;
	v13 =	vor.u32 v0, v14  }
0x117: {  	v21 =	vshrl.u32 v8, $0x8;
	v14 =	vld [tilespmem:s23+$0xFFFFFFC0];
	v8 =	vshll.u32 v9, $0x4;
	v22 =	vand.u32 $0xFFF, v13  }
0x118: {  	v23 =	vor.u32 v0, v15;
	v24 =	vshrl.u32 v9, $0x8;
	v9 =	vshll.u32 v10, $0x4;
	[tilespmem:v6+s11+$0x0] =	vst.idx.add.s32.msk vm2, v1  }
0x119: {  	v25 =	vor.u32 v0, v8;
	v8 =	vshrl.u32 v10, $0x8;
	v6 =	vshll.u32 v11, $0x4;
	[tilespmem:v7+s11+$0x0] =	vst.idx.add.s32.msk vm0, v1  }
0x11a: {  	v9 =	vor.u32 v0, v9;
	v10 =	vshrl.u32 v11, $0x8;
	v7 =	vshll.u32 v12, $0x4;
	[tilespmem:v5+s11+$0x0] =	vst.idx.add.s32.msk vm1, v1  }
.Ltmp14:
0x11b: {  	v11 =	vor.u32 v0, v6;
	v12 =	vshrl.u32 v12, $0x8;
	v5 =	vshll.u32 v16, $0x4;
	[tilespmem:v17+s11+$0x0] =	vst.idx.add.s32.msk vm6, v1;
	(pc) =	sbr.rel @p0 .LBB2_23-.Ltmp14, $4  }
0x11c: {  	v13 =	vor.u32 v0, v7;
	v6 =	vshrl.u32 v14, $0x8;
	v14 =	vshll.u32 v14, $0x4;
	[tilespmem:v22+s11+$0x0] =	vst.idx.add.s32.msk vm7, v1  }
0x11d: {  	v15 =	vshrl.u32 v16, $0x8;
	v7 =	vor.u32 v0, v14;
	v14 =	vor.u32 v0, v5;
	[tilespmem:v18+s11+$0x0] =	vst.idx.add.s32.msk vm4, v1  }
0x11e: {  	vm0 =	veq.s32 v21, v4;
	vm2 =	veq.s32 v6, v4;
	v6 =	vand.u32 $0xFFF, v7;
	[tilespmem:v19+s11+$0x0] =	vst.idx.add.s32.msk vm5, v1  }
0x11f: {  	s23 =	sadd.s32 $0x80, s23;
	vm1 =	veq.s32 v24, v4;
	v5 =	vand.u32 $0xFFF, v25;
	v7 =	vand.u32 $0xFFF, v23;
	[tilespmem:v20+s11+$0x0] =	vst.idx.add.s32.msk vm3, v1  }
0x120: {  	_ =	sdelay $0x1  }
0x121: {  	vm3 =	veq.s32 v8, v4  }
0x122: {  	v61 =	vand.u32 $0xFFF, v9;
	vm4 =	veq.s32 v10, v4  }
0x123: {  	v62 =	vand.u32 $0xFFF, v11;
	vm5 =	veq.s32 v12, v4;
	s19 =	ssub.s32 s21, s19  }
0x124: {  	v63 =	vand.u32 $0xFFF, v13;
	vm6 =	veq.s32 v15, v4;
	[tilespmem:v6+s11+$0x0] =	vst.idx.add.s32.msk vm2, v1;
	s21 =	sadd.s32 s18, s19  }
0x125: {  	v4 =	vand.u32 $0xFFF, v14;
	[tilespmem:v7+s11+$0x0] =	vst.idx.add.s32.msk vm0, v1;
	p0 =	sgt.s32 s21, $0x0  }
.Ltmp15:
0x126: {  	[tilespmem:v5+s11+$0x0] =	vst.idx.add.s32.msk vm1, v1;
	(pc) =	sbr.rel @!p0 .LBB2_26-.Ltmp15, $4  }
0x127: {  	[tilespmem:v61+s11+$0x0] =	vst.idx.add.s32.msk vm3, v1  }
0x128: {  	[tilespmem:v62+s11+$0x0] =	vst.idx.add.s32.msk vm4, v1  }
0x129: {  	s23 =	simm.s32 $0x5FF0;
	s22 =	simm.s32 $0x0;
	[tilespmem:v63+s11+$0x0] =	vst.idx.add.s32.msk vm5, v1  }
0x12a: {  	s24 =	simm.s32 $0x0;
	s19 =	simm.s32 $0x100;
	s18 =	simm.s32 $0x0;
	[tilespmem:v4+s11+$0x0] =	vst.idx.add.s32.msk vm6, v1  }
.LBB2_25:
0x12b: {  	v4 =	vld [tilespmem:s23+$0x0];
	_ =	sdelay $0x4  }
0x12c: {  	(xrf0) =	vadd.scan.msk.s32 $0xffff, v4;
	_ =	sdelay $0x5  }
0x12d: {  	v4, _, _ =	vpop (xrf0)  }
0x12e: {  	(v2sf) =	vpush v4, $0xF;
	_ =	sdelay $0xe  }
0x12f: {  	s24 =	spop (v2sf)  }
0x130: {  	s22 =	sadd.s32 s22, s24  }
0x131: {  	p0 =	slt.s32 s22, s21  }
.Ltmp16:
0x132: {  	_ = 	snop;
	(pc) =	sbr.rel @p0 .LBB2_25-.Ltmp16, $2  }
0x133: {  	_ =	sdelay $0x2  }
0x134: {  	s19 =	sadd.s32 $0xFFFFFFFF, s19;
	s23 =	sadd.s32 $0xFFFFFFF0, s23  }
.LBB2_26:
0x135: {  	s21 =	ssub.s32 s21, s22  }
0x136: {  	p0 =	sgt.s32 s17, $0x0;
	s20 =	sshll.u32 s20, $0x8;
	s17 =	sadd.s32 s24, s21  }
0x137: {  	s19 =	sor.u32 s20, s19;
	s17 =	simm.s32 @!p0 $0x0  }
0x138: {  	s19 =	simm.s32 @!p0 $0x7FFFFFFF;
	p0 =	slt.s32 s17, $0x1  }
.Ltmp17:
0x139: {  	_ = 	snop;
	(pc) =	sbr.rel @p0 .LBB2_34-.Ltmp17, $2  }
0x13a: {  	_ =	sdelay $0x2  }
0x13b: {  	v4 =	vmov s19  }
0x13c: {  	s19 =	simm.s32 $0x0;
	s20 =	simm.s32 $0x0;
	s21 =	simm.s32 $0x0  }
.LBB2_28:
0x13d: {  	v5 =	vld [tilespmem:s19+$0x0];
	_ =	sdelay $0x4  }
0x13e: {  	vm0 =	veq.s32 v5, v4  }
0x13f: {  	v5 =	vsel vm0, $0x1, v2  }
0x140: {  	(xrf0) =	vadd.scan.msk.s32 $0xffff, v5;
	_ =	sdelay $0x5  }
0x141: {  	v5, _, _ =	vpop (xrf0)  }
0x142: {  	(v2sf) =	vpush v5, $0xF;
	_ =	sdelay $0xe  }
0x143: {  	s22 =	spop (v2sf)  }
0x144: {  	p0 =	sgt.u32 s21, $0x4FE;
	s20 =	sadd.s32 s20, s22  }
0x145: {  	p1 =	slt.s32 @!p0 s20, s17  }
0x146: {  	p1 =	por p0, !p1  }
.Ltmp18:
0x147: {  	_ = 	snop;
	(pc) =	sbr.rel @!p1 .LBB2_28-.Ltmp18, $2  }
0x148: {  	_ =	sdelay $0x2  }
0x149: {  	s21 =	sadd.s32 $0x1, s21;
	s18 =	sadd.s32 $0x10, s18;
	s19 =	sadd.s32 $0x10, s19  }
.Ltmp19:
0x14a: {  	(pc) =	sbr.rel .LBB2_30-.Ltmp19, $3  }
0x14b: {  	_ =	sdelay $0x1  }
0x14c: {  	s18 =	smov.u32 @p0 s18;
	s20 =	smov.u32 @p0 s20  }
0x14d: {  	s19 =	smov.u32 s18;
	s18 =	smov.u32 s20  }
.LBB2_34:
0x14e: {  	s19 =	simm.s32 $0x10  }
.LBB2_30:
0x14f: {  	v5 =	vld [tilespmem:s19+$0xFFFFFFF0];
	_ =	sdelay $0x4  }
0x150: {  	vm0 =	veq.s32 v5, v4  }
0x151: {  	v5 =	vsel vm0, $0x1, v2  }
0x152: {  	(xrf0) =	vadd.scan.msk.s32 $0xffff, v5;
	_ =	sdelay $0x5  }
0x153: {  	v5, _, _ =	vpop (xrf0)  }
0x154: {  	(v2sf) =	vpush v5, $0xF;
	_ =	sdelay $0xe  }
0x155: {  	s18 =	ssub.s32 s17, s18;
	s20 =	spop (v2sf)  }
0x156: {  	s16 =	sshll.u32 s16, $0x2;
	s18 =	sadd.s32 s20, s18  }
0x157: {  	s16 =	sor.u32 $0x1, s16;
	vm1 =	veq.s32 v5, s18  }
0x158: {  	v5 =	vmov s16;
	vm0 =	vmand vm0, vm1  }
0x159: {  	v5 =	vcvt.s32.f32 v5;
	v6 =	vnsel vm0, $0x0, v0  }
0x15a: {  	(xrf0) =	vadd.scan.msk.s32 $0xffff, v6  }
0x15b: {  	v5 =	vbroadcast v5, $0x0;
	_ =	sdelay $0x1  }
0x15c: {  	v6 =	vsub.s32 $0x7EF127EA, v5  }
0x15d: {  	v7 =	vmul.f32 v6, v5;
	_ =	sdelay $0x1  }
0x15e: {  	v7 =	vsub.f32 $2.000000000e+00, v7;
	v8, _, _ =	vpop (xrf0)  }
0x15f: {  	(v2sf) =	vpush v8, $0xF  }
0x160: {  	v6 =	vmul.f32 v6, v7;
	_ =	sdelay $0x1  }
0x161: {  	v7 =	vmul.f32 v6, v5;
	_ =	sdelay $0x1  }
0x162: {  	v7 =	vsub.f32 $2.000000000e+00, v7;
	_ =	sdelay $0x1  }
0x163: {  	v6 =	vmul.f32 v7, v6  }
0x164: {  	s23 =	simm.s32 $0x40  }
0x165: {  	v9 =	vld [tilespmem:s23+$0xFFFFFFD0];
	v7 =	vmul.f32 v6, v5  }
0x166: {  	v11 =	vld [tilespmem:s23+$0xFFFFFFE0]  }
0x167: {  	v14 =	vld [tilespmem:s23+$0x0];
	v7 =	vsub.f32 $2.000000000e+00, v7  }
0x168: {  	s25 =	simm.s32 $0x10;
	v20 =	vld [tilespmem:s23+$0x20]  }
0x169: {  	s26 =	simm.s32 $0x20;
	s28 =	simm.s32 $0x30;
	s29 =	simm.s32 $0x0;
	v12 =	vor.u32 s25, v0;
	v6 =	vmul.f32 v7, v6;
	v7 =	vld [tilespmem:s23+$0x30]  }
0x16a: {  	s30 =	simm.s32 $0x40;
	s21 =	simm.s32 $0x50;
	v13 =	vor.u32 s26, v0;
	v15 =	vor.u32 s29, v0;
	v16 =	vor.u32 s28, v0  }
0x16b: {  	s31 =	simm.s32 $0x60;
	v18 =	vor.u32 s30, v0;
	v19 =	vor.u32 s21, v0;
	v5 =	vmul.f32 v6, v5;
	s24 =	spop (v2sf)  }
0x16c: {  	v21 =	vor.u32 s31, v0;
	vm3 =	veq.s32 v9, v4;
	vm4 =	veq.s32 v11, v4;
	s16 =	sadd.s32 s24, s19  }
0x16d: {  	p0 =	sgt.s32 s17, $0x0;
	vm6 =	veq.s32 v14, v4;
	vm8 =	veq.s32 v20, v4;
	v5 =	vsub.f32 $2.000000000e+00, v5;
	s17 =	sadd.s32 $0xFFFFFFF1, s16  }
0x16e: {  	vm14 =	vgt.s32 v20, v4;
	v8 =	vld [tilespmem:s23+$0xFFFFFFC0];
	s16 =	simm.s32 $0x70;
	vm0 =	veq.s32 v7, v4;
	vm2 =	vgt.s32 v7, v4;
	s17 =	simm.s32 @!p0 $0x0  }
0x16f: {  	v5 =	vmul.f32 v5, v6;
	v10 =	vor.u32 s16, v0;
	v6 =	vmov s17  }
0x170: {  	vm1 =	vlt.s32 v10, v6;
	vm5 =	vlt.s32 v15, v6;
	vm7 =	vlt.s32 v12, v6  }
0x171: {  	vm9 =	vlt.s32 v13, v6;
	vm10 =	vlt.s32 v16, v6;
	vm11 =	vlt.s32 v18, v6  }
0x172: {  	vm12 =	vlt.s32 v19, v6;
	vm0 =	vmand vm1, vm0;
	vm3 =	vmand vm7, vm3  }
0x173: {  	v17 =	vld [tilespmem:s23+$0x10];
	vm4 =	vmand vm9, vm4;
	vm6 =	vmand vm11, vm6;
	vm7 =	vgt.s32 v8, v4  }
0x174: {  	v10 =	vld [tilespmem:s23+$0xFFFFFFF0];
	vm9 =	vgt.s32 v9, v4;
	vm11 =	vgt.s32 v14, v4;
	vm0 =	vmor vm2, vm0  }
0x175: {  	vm2 =	veq.s32 v7, $0xFFFFFFFE;
	vm15 =	vmor vm9, vm3;
	vm13 =	vmor vm11, vm6  }
0x176: {  	vm6 =	veq.s32 v11, $0xFFFFFFFE;
	vm1 =	vmneg vm0;
	v15 =	vsel vm2, $0x3F800000, v3  }
0x177: {  	vm0 =	vmor vm2, vm0;
	vm11 =	vmneg vm13;
	v7 =	vsel vm1, $0xFFFFFFFF, v2  }
0x178: {  	vm1 =	veq.s32 v8, v4;
	v22 =	vnsel vm0, $0x0, v5;
	vm0 =	veq.s32 v17, v4  }
0x179: {  	v7 =	vsel vm2, $0x1, v7;
	vm2 =	veq.s32 v10, v4;
	vm1 =	vmand vm5, vm1  }
0x17a: {  	vm5 =	vlt.s32 v21, v6;
	vm0 =	vmand vm12, vm0;
	vm2 =	vmand vm10, vm2  }
0x17b: {  	vm5 =	vmand vm5, vm8;
	vm8 =	vgt.s32 v11, v4;
	vm10 =	vgt.s32 v10, v4  }
0x17c: {  	vm12 =	vmor vm7, vm1;
	vm1 =	vgt.s32 v17, v4;
	v11 =	vsel vm11, $0xFFFFFFFF, v2  }
0x17d: {  	vm7 =	veq.s32 v14, $0xFFFFFFFE;
	vm9 =	vmor vm8, vm4;
	vm10 =	vmor vm10, vm2  }
0x17e: {  	vm8 =	vmor vm1, vm0;
	vm5 =	vmor vm14, vm5;
	vm0 =	vmneg vm12  }
0x17f: {  	vm1 =	vmneg vm15;
	vm4 =	veq.s32 v8, $0xFFFFFFFE;
	v11 =	vsel vm7, $0x1, v11  }
0x180: {  	vm2 =	vmneg vm9;
	vm3 =	vmneg vm10;
	vm14 =	vmneg vm8  }
0x181: {  	v13 =	vsel vm0, $0xFFFFFFFF, v2;
	v8 =	vsel vm1, $0xFFFFFFFF, v2;
	vm1 =	veq.s32 v9, $0xFFFFFFFE  }
0x182: {  	vm0 =	vmneg vm5;
	vm11 =	vmor vm6, vm9;
	vm9 =	vmor vm7, vm13  }
0x183: {  	v9 =	vsel vm2, $0xFFFFFFFF, v2;
	v62 =	vsel vm3, $0xFFFFFFFF, v2;
	vm3 =	veq.s32 v10, $0xFFFFFFFE  }
0x184: {  	s19 =	simm.s32 $0x6040;
	v63 =	vsel vm14, $0xFFFFFFFF, v2;
	vm14 =	vmmov vm1;
	v14 =	vsel vm0, $0xFFFFFFFF, v2  }
0x185: {  	s17 =	simm.s32 $0xB040;
	[tilespmem:s19+$0x30] =	vst v7;
	vm0 =	veq.s32 v17, $0xFFFFFFFE;
	vm1 =	vmor vm4, vm12;
	vm2 =	veq.s32 v20, $0xFFFFFFFE  }
0x186: {  	s18 =	simm.s32 $0x10040;
	[tilespmem:s17+$0x30] =	vst v15;
	v7 =	vsel vm4, $0x1, v13;
	v12 =	vnsel vm1, $0x0, v5;
	vm12 =	vmor vm14, vm15  }
0x187: {  	[tilespmem:s18+$0x30] =	vst v22;
	vm10 =	vmor vm3, vm10;
	vm13 =	vmmov vm3;
	vm1 =	vmor vm0, vm8  }
0x188: {  	s22 =	simm.s32 $0x6040;
	s21 =	simm.s32 $0x10040;
	v13 =	vsel vm14, $0x1, v8;
	vm8 =	vmor vm2, vm5;
	[tilespmem:s19+$0xFFFFFFC0] =	vst v7;
	v8 =	vsel vm6, $0x1, v9  }
0x189: {  	s20 =	simm.s32 $0xB040;
	s24 =	simm.s32 $0xC0;
	s23 =	simm.s32 $0x0;
	v10 =	vsel vm3, $0x1, v62;
	v9 =	vsel vm0, $0x1, v63;
	v7 =	vsel vm2, $0x1, v14;
	[tilespmem:s19+$0xFFFFFFD0] =	vst v13  }
.LBB2_31:
0x18a: {  	[tilespmem:s19+$0xFFFFFFE0] =	vst v8  }
0x18b: {  	[tilespmem:s19+$0xFFFFFFF0] =	vst v10  }
0x18c: {  	v14 =	vnsel vm12, $0x0, v5;
	[tilespmem:s19+$0x0] =	vst v11  }
0x18d: {  	v15 =	vnsel vm11, $0x0, v5;
	v16 =	vnsel vm10, $0x0, v5;
	v20 =	vsel vm4, $0x3F800000, v3;
	v30 =	vld [tilespmem:s24+$0x20];
	[tilespmem:s22+$0x20] =	vst v7  }
0x18e: {  	v8 =	vld [tilespmem:s24+$0xFFFFFFC0];
	v17 =	vnsel vm9, $0x0, v5;
	v18 =	vnsel vm1, $0x0, v5;
	v21 =	vsel vm14, $0x3F800000, v3;
	[tilespmem:s17+$0xFFFFFFC0] =	vst v20  }
0x18f: {  	v19 =	vnsel vm8, $0x0, v5;
	v10 =	vld [tilespmem:s24+$0xFFFFFFD0];
	v22 =	vsel vm6, $0x3F800000, v3;
	v60 =	vsel vm13, $0x3F800000, v3;
	s16 =	sadd.s32 $0x80, s16;
	[tilespmem:s17+$0xFFFFFFD0] =	vst v21  }
0x190: {  	v23 =	vsel vm7, $0x3F800000, v3;
	v24 =	vsel vm0, $0x3F800000, v3;
	v7 =	vimm.s32 $0x0;
	v11 =	vld [tilespmem:s24+$0xFFFFFFE0];
	s25 =	sadd.s32 $0xFFFFFFA0, s16;
	[tilespmem:s17+$0xFFFFFFE0] =	vst v22  }
0x191: {  	v13 =	vld [tilespmem:s24+$0x30];
	s26 =	sadd.s32 $0xFFFFFFB0, s16;
	v26 =	vor.u32 s16, v0;
	s31 =	sadd.s32 $0xFFFFFF90, s16;
	[tilespmem:s18+$0xFFFFFFC0] =	vst v12;
	v12 =	vsel vm2, $0x3F800000, v3;
	v27 =	vor.u32 s25, v0  }
0x192: {  	v62 =	vld [tilespmem:s24+$0x10];
	s28 =	sadd.s32 $0xFFFFFFC0, s16;
	s29 =	sadd.s32 $0xFFFFFFE0, s16;
	s30 =	sadd.s32 $0xFFFFFFF0, s16;
	vm1 =	vlt.s32 v26, v6;
	v61 =	vor.u32 s26, v0;
	[tilespmem:s18+$0xFFFFFFD0] =	vst v14;
	v14 =	vor.u32 s31, v0  }
0x193: {  	s25 =	sadd.s32 $0xFFFFFFD0, s16;
	v29 =	vor.u32 s28, v0;
	v31 =	vor.u32 s29, v0;
	[tilespmem:s18+$0xFFFFFFE0] =	vst v15;
	v15 =	vor.u32 s30, v0  }
0x194: {  	v28 =	vld [tilespmem:s24+$0x0];
	v63 =	vor.u32 s25, v0;
	vm8 =	vlt.s32 v27, v6;
	vm9 =	vlt.s32 v61, v6  }
0x195: {  	vm10 =	vlt.s32 v29, v6;
	vm12 =	vlt.s32 v31, v6;
	vm13 =	vlt.s32 v15, v6  }
0x196: {  	v25 =	vld [tilespmem:s24+$0xFFFFFFF0];
	vm11 =	vlt.s32 v63, v6;
	vm0 =	veq.s32 v13, v4;
	vm2 =	vgt.s32 v13, v4  }
0x197: {  	vm3 =	veq.s32 v13, $0xFFFFFFFE;
	vm6 =	veq.s32 v62, v4;
	vm0 =	vmand vm1, vm0  }
0x198: {  	vm7 =	veq.s32 v30, v4;
	vm1 =	veq.s32 v10, v4;
	vm2 =	vmor vm2, vm0  }
0x199: {  	vm4 =	veq.s32 v11, v4;
	vm5 =	veq.s32 v28, v4;
	vm0 =	vmneg vm2  }
0x19a: {  	vm14 =	vmand vm12, vm6;
	vm6 =	vgt.s32 v8, v4;
	v13 =	vsel vm0, $0xFFFFFFFF, v2  }
0x19b: {  	s19 =	sadd.s32 $0x80, s19;
	[tilespmem:s17+$0xFFFFFFF0] =	vst v60;
	vm12 =	vgt.s32 v25, v4;
	vm1 =	vmand vm8, vm1;
	v13 =	vsel vm3, $0x1, v13  }
0x19c: {  	s17 =	sadd.s32 $0x80, s17;
	vm8 =	vgt.s32 v10, v4;
	vm2 =	vmor vm3, vm2;
	[tilespmem:s19+$0x30] =	vst v13;
	v13 =	vsel vm3, $0x3F800000, v3  }
0x19d: {  	vm0 =	veq.s32 v8, v4;
	vm3 =	veq.s32 v25, v4;
	[tilespmem:s17+$0x30] =	vst v13;
	v13 =	vnsel vm2, $0x0, v5  }
0x19e: {  	vm2 =	vlt.s32 v14, v6;
	vm3 =	vmand vm10, vm3;
	vm10 =	vgt.s32 v11, v4  }
0x19f: {  	vm0 =	vmand vm2, vm0;
	vm2 =	vmand vm9, vm4;
	vm4 =	vmand vm11, vm5  }
0x1a0: {  	vm11 =	vmand vm13, vm7;
	vm13 =	vgt.s32 v28, v4;
	vm7 =	vmor vm6, vm0  }
0x1a1: {  	vm9 =	vmor vm8, vm1;
	vm6 =	vgt.s32 v30, v4;
	v7 =	vsel vm7, $0xFFFFFFFF, v7  }
0x1a2: {  	vm10 =	vmor vm10, vm2;
	vm2 =	vmor vm6, vm11;
	[tilespmem:$0x1FFE0] =	vst v7;
	v7 =	vimm.s32 $0x0  }
0x1a3: {  	vm8 =	vmor vm12, vm3;
	vm5 =	vmor vm13, vm4;
	v7 =	vsel vm2, $0xFFFFFFFF, v7  }
0x1a4: {  	vm0 =	vgt.s32 v62, v4;
	vm3 =	vmneg vm5;
	[tilespmem:$0x1FFF0] =	vst v7;
	v7 =	vimm.s32 $0x0  }
0x1a5: {  	vm15 =	vmor vm0, vm14;
	v7 =	vsel vm3, $0xFFFFFFFF, v7  }
0x1a6: {  	vm3 =	vmneg vm15;
	[tilespmem:$0x1FFC0] =	vst v7;
	v7 =	vimm.s32 $0x0  }
0x1a7: {  	v7 =	vsel vm3, $0xFFFFFFFF, v7  }
0x1a8: {  	vm6 =	veq.s32 v11, $0xFFFFFFFE;
	v11 =	vld [tilespmem:$0x1FFC0];
	[tilespmem:$0x1FFD0] =	vst v7  }
0x1a9: {  	[tilespmem:s20+$0x20] =	vst v12;
	vm1 =	vmneg vm8;
	v12 =	vld [tilespmem:$0x1FFD0]  }
0x1aa: {  	vm4 =	veq.s32 v8, $0xFFFFFFFE;
	vm13 =	veq.s32 v25, $0xFFFFFFFE;
	vm0 =	vmneg vm7  }
0x1ab: {  	vm11 =	vmneg vm9;
	vm12 =	vmneg vm10;
	vm14 =	veq.s32 v10, $0xFFFFFFFE  }
0x1ac: {  	[tilespmem:s22+$0x10] =	vst v9;
	vm7 =	veq.s32 v28, $0xFFFFFFFE;
	v10 =	vsel vm1, $0xFFFFFFFF, v2;
	v8 =	vsel vm11, $0xFFFFFFFF, v2  }
0x1ad: {  	[tilespmem:s20+$0x0] =	vst v23;
	v9 =	vsel vm12, $0xFFFFFFFF, v2;
	v15 =	vsel vm14, $0x1, v8;
	v8 =	vld [tilespmem:$0x1FFF0];
	vm1 =	vnez.u8 v11  }
0x1ae: {  	[tilespmem:s20+$0x10] =	vst v24;
	vm12 =	vmor vm14, vm9;
	v11 =	vsel vm1, $0xFFFFFFFF, v2;
	vm1 =	vnez.u8 v12;
	v12 =	vld [tilespmem:$0x1FFE0]  }
0x1af: {  	s23 =	sadd.s32 $0x8, s23;
	[tilespmem:s18+$0xFFFFFFF0] =	vst v16;
	vm11 =	vmor vm6, vm10;
	vm10 =	vmor vm13, vm8;
	vm9 =	vmor vm7, vm5  }
0x1b0: {  	p0 =	slt.u32 s23, $0x4F8;
	[tilespmem:s21+$0x0] =	vst v17;
	v10 =	vsel vm13, $0x1, v10;
	vm3 =	vmneg vm2;
	vm2 =	veq.s32 v30, $0xFFFFFFFE  }
.Ltmp20:
0x1b1: {  	s18 =	sadd.s32 $0x80, s18;
	[tilespmem:s21+$0x10] =	vst v18;
	v7 =	vsel vm0, $0xFFFFFFFF, v2;
	vm0 =	veq.s32 v62, $0xFFFFFFFE;
	v14 =	vsel vm3, $0xFFFFFFFF, v2;
	(pc) =	sbr.rel @p0 .LBB2_31-.Ltmp20, $4  }
0x1b2: {  	[tilespmem:s18+$0x30] =	vst v13;
	v7 =	vsel vm4, $0x1, v7;
	vm5 =	vnez.u8 v8;
	v8 =	vsel vm6, $0x1, v9  }
0x1b3: {  	[tilespmem:s19+$0xFFFFFFC0] =	vst v7;
	v7 =	vsel vm2, $0x1, v14;
	v13 =	vsel vm1, $0xFFFFFFFF, v2;
	vm1 =	vnez.u8 v12  }
0x1b4: {  	s22 =	smov.u32 s19;
	[tilespmem:s21+$0x20] =	vst v19;
	vm8 =	vmor vm2, vm5;
	v11 =	vsel vm7, $0x1, v11;
	vm3 =	vmor vm4, vm1  }
0x1b5: {  	s24 =	sadd.s32 $0x80, s24;
	s20 =	smov.u32 s17;
	s21 =	smov.u32 s18;
	[tilespmem:s19+$0xFFFFFFD0] =	vst v15;
	v9 =	vsel vm0, $0x1, v13;
	vm1 =	vmor vm0, vm15;
	v12 =	vnsel vm3, $0x0, v5  }
0x1b6: {  	[tilespmem:s19+$0xFFFFFFE0] =	vst v8  }
0x1b7: {  	[tilespmem:s19+$0xFFFFFFF0] =	vst v10  }
0x1b8: {  	[tilespmem:s19+$0x0] =	vst v11  }
0x1b9: {  	[tilespmem:s22+$0x10] =	vst v9  }
0x1ba: {  	v4 =	vsel vm4, $0x3F800000, v3;
	[tilespmem:s22+$0x20] =	vst v7  }
0x1bb: {  	[tilespmem:s17+$0xFFFFFFC0] =	vst v4  }
0x1bc: {  	v4 =	vsel vm14, $0x3F800000, v3;
	[tilespmem:s18+$0xFFFFFFC0] =	vst v12  }
0x1bd: {  	v6 =	vnsel vm12, $0x0, v5;
	[tilespmem:s17+$0xFFFFFFD0] =	vst v4  }
0x1be: {  	v4 =	vsel vm6, $0x3F800000, v3;
	[tilespmem:s18+$0xFFFFFFD0] =	vst v6  }
0x1bf: {  	v60 =	vnsel vm11, $0x0, v5;
	[tilespmem:s17+$0xFFFFFFE0] =	vst v4  }
0x1c0: {  	v4 =	vsel vm13, $0x3F800000, v3;
	[tilespmem:s18+$0xFFFFFFE0] =	vst v60  }
0x1c1: {  	v61 =	vnsel vm10, $0x0, v5;
	[tilespmem:s17+$0xFFFFFFF0] =	vst v4  }
0x1c2: {  	v4 =	vsel vm7, $0x3F800000, v3;
	[tilespmem:s18+$0xFFFFFFF0] =	vst v61  }
0x1c3: {  	v62 =	vnsel vm9, $0x0, v5;
	[tilespmem:s20+$0x0] =	vst v4  }
0x1c4: {  	v4 =	vsel vm0, $0x3F800000, v3;
	[tilespmem:s21+$0x0] =	vst v62  }
0x1c5: {  	v63 =	vnsel vm1, $0x0, v5;
	[tilespmem:s20+$0x10] =	vst v4  }
0x1c6: {  	v4 =	vsel vm2, $0x3F800000, v3;
	[tilespmem:s21+$0x10] =	vst v63  }
0x1c7: {  	v5 =	vnsel vm8, $0x0, v5;
	[tilespmem:s20+$0x20] =	vst v4  }
0x1c8: {  	[tilespmem:s21+$0x20] =	vst v5  }
0x1c9: {  	[hbm4b:s3+s8] =	stream.strided.scatter [tilespmem:s12], [sflag:$0x1], $0x5000, s9, s8, $0x38;
	[tilespmem:$0x15000] =	vst v63  }
0x1ca: {  	_ =	swait.ge [sflag:s10], $0x5000  }
0x1cb: {  	[sflag:s10] =	ssyncset.done $0x0  }
0x1cc: {  	[sflag:s10] =	ssyncadd.s32 $0xFFFFB000  }
0x1cd: {  	[hbm4b:s4+s8] =	stream.strided.scatter [tilespmem:s13], [sflag:$0x1], $0x5000, s9, s8, $0x38;
	[tilespmem:$0x15000] =	vst v63  }
0x1ce: {  	s15 =	sadd.s32 $0x1, s15;
	_ =	swait.ge [sflag:s10], $0x5000  }
0x1cf: {  	p0 =	sne.s32 s15, s7;
	[sflag:s10] =	ssyncset.done $0x0  }
.Ltmp21:
0x1d0: {  	[sflag:s10] =	ssyncadd.s32 $0xFFFFB000;
	(pc) =	sbr.rel @p0 .LBB2_2-.Ltmp21, $4  }
0x1d1: {  	[hbm4b:s5+s8] =	stream.strided.scatter [tilespmem:s14], [sflag:$0x1], $0x5000, s9, s8, $0x38;
	[tilespmem:$0x15000] =	vst v63  }
0x1d2: {  	_ =	swait.ge [sflag:s10], $0x5000  }
0x1d3: {  	[sflag:s10] =	ssyncset.done $0x0  }
0x1d4: {  	[sflag:s10] =	ssyncadd.s32 $0xFFFFB000  }
.LBB2_33:
0x1d5: {  	_ =	sfence.sel $0x180000  }
0x1d6: {  	[bflag:$0x0] =	sbarrier.arrive $0xFFFF  }
0x1d7: {  	p0 =	sne.s32 s1, $0x0;
	_ =	strace $0x90000047  }
0x1d8: {  	s0 =	sadd.s32 @!p0 $0x100000, s0;
	[bflag:$0x2] =	sbarrier.arrive $0xFFFF  }
0x1d9: {  	[sflag:s0] =	ssyncadd.tile.s32 @!p0 $0x1;
	_ =	shalt  }
.Lfunc_end2:
_tile_overlayer_lowered:
.L_overlay_start_2:
0x1da: {  	(tag) =	ssettag $0x2  }
0x1db: {  	s0 =	rddreg [dreg:$0x0];
	s2 =	stileid.u32  }
0x1dc: {  	s1 =	rddreg [dreg:$0x1];
	p0 =	sne.s32 s2, $0x0  }
0x1dd: {  	s3 =	rddreg [dreg:$0x2];
	[bflag:$0x3] =	sbarrier.arrive $0xFFFF;
	s2 =	simm.s32 @!p0 $0x1C01  }
0x1de: {  	[timem:s3], [sflag:s2] =	dma.local @!p0 [hbm:s0], s1  }
0x1df: {  	s0 =	simm.s32 @!p0 $0x1  }
0x1e0: {  	_ =	swait.ge @!p0 [sflag:s0], s1  }
0x1e1: {  	s1 =	ssub.s32 @!p0 $0x0, s1;
	[sflag:s0] =	ssyncset.done @!p0 $0x0  }
0x1e2: {  	[sflag:s0] =	ssyncadd.s32 @!p0 s1  }
0x1e3: {  	[bflag:$0x3] =	sbarrier.arrive $0xFFFF  }
0x1e4: {  	_ =	shalt  }

</sc_bundles>
